<compile_context>
chip_gen: v7x
topology: tpu7x:2x2x1
jax: 0.10.2.dev20260603
libtpu: 0.0.44.dev20260713+nightly
codegen_flags: <defaults>
</compile_context>

<pallas_src>
import functools

import jax
import jax.numpy as jnp
from jax import lax
from jax.experimental import pallas as pl
from jax.experimental.pallas import tpu as pltpu
from jax.experimental.pallas import tpu_sc as plsc

VOCAB = 100000
D = 768
SEQ = 50
BATCH = 1024
N_TOK = BATCH * SEQ
LANES = 16
KD = D // LANES

_info = plsc.get_sparse_core_info()
NC, NS = _info.num_cores, _info.num_subcores
NW = NC * NS
TPW = N_TOK // NW
CH = 32
NCHUNK = TPW // CH
POS_STAGE = 56

_F32 = jnp.float32


def _rsqrt16(x):
    xi = lax.bitcast_convert_type(x, jnp.int32)
    yi = jnp.int32(0x5F3759DF) - (xi >> 1)
    y = lax.bitcast_convert_type(yi, _F32)
    for _ in range(4):
        y = y * (1.5 - 0.5 * x * y * y)
    return y


def _body(ids_hbm, tti_hbm, tok_hbm, pos_hbm, seg_hbm, gam_hbm, bet_hbm,
          out_hbm, idx_v, tti_v, pos_v, seg_v, gam_v, bet_v, buf, sem):
    wid = lax.axis_index("s") * NC + lax.axis_index("c")
    wbase = wid * TPW

    pltpu.sync_copy(ids_hbm.at[pl.ds(wbase, TPW)], idx_v)
    pltpu.sync_copy(tti_hbm.at[pl.ds(wbase, TPW)], tti_v)
    pltpu.sync_copy(pos_hbm.at[pl.ds(0, POS_STAGE)], pos_v)
    pltpu.sync_copy(seg_hbm, seg_v)
    pltpu.sync_copy(gam_hbm, gam_v)
    pltpu.sync_copy(bet_hbm, bet_v)

    def fold_pos(i, _):
        p, k = i // KD, i % KD
        pos_v[p, pl.ds(k * LANES, LANES)] = (
            pos_v[p, pl.ds(k * LANES, LANES)]
            + seg_v[0, pl.ds(k * LANES, LANES)])
        return 0

    lax.fori_loop(0, SEQ * KD, fold_pos, 0)

    def fold_seg(k, _):
        seg_v[1, pl.ds(k * LANES, LANES)] = (
            seg_v[1, pl.ds(k * LANES, LANES)]
            - seg_v[0, pl.ds(k * LANES, LANES)])
        return 0

    lax.fori_loop(0, KD, fold_seg, 0)

    zero = jnp.zeros((LANES,), _F32)
    lane = lax.iota(jnp.int32, LANES)

    def chunk_body(j, _):
        pltpu.async_copy(tok_hbm.at[idx_v.at[pl.ds(j * CH, CH)]], buf,
                         sem).wait()

        def row_body(r, _):
            t = j * CH + r
            p = lax.rem(t, SEQ)
            ttv = tti_v[pl.ds((t // LANES) * LANES, LANES)]
            lane_idx = jnp.full((LANES,), lax.rem(r, LANES), jnp.int32)
            ttf = ttv.at[lane_idx].get(mode="promise_in_bounds").astype(_F32)

            def k_pass1(k, carry):
                s, q = carry
                v = (buf[r, pl.ds(k * LANES, LANES)]
                     + pos_v[p, pl.ds(k * LANES, LANES)]
                     + ttf * seg_v[1, pl.ds(k * LANES, LANES)])
                buf[r, pl.ds(k * LANES, LANES)] = v
                return (s + v, q + v * v)

            s, q = lax.fori_loop(0, KD, k_pass1, (zero, zero))
            mean = jnp.sum(s) * (1.0 / D)
            ex2 = jnp.sum(q) * (1.0 / D)
            var = ex2 - mean * mean
            rstd = _rsqrt16(jnp.full((LANES,), var + 1e-5, _F32))
            mvec = jnp.full((LANES,), mean, _F32)

            def k_pass2(k, _):
                v = buf[r, pl.ds(k * LANES, LANES)]
                g = gam_v[pl.ds(k * LANES, LANES)]
                b = bet_v[pl.ds(k * LANES, LANES)]
                buf[r, pl.ds(k * LANES, LANES)] = (v - mvec) * (rstd * g) + b
                return 0

            lax.fori_loop(0, KD, k_pass2, 0)
            return 0

        lax.fori_loop(0, CH, row_body, 0)
        pltpu.sync_copy(buf, out_hbm.at[pl.ds(wbase + j * CH, CH)])
        return 0

    lax.fori_loop(0, NCHUNK, chunk_body, 0)


def kernel(input_ids, token_type_ids, token_table, pos_table, seg_table,
           gamma, beta):
    ids = input_ids.reshape(-1).astype(jnp.int32)
    tti = token_type_ids.reshape(-1).astype(jnp.int32)

    mesh = plsc.VectorSubcoreMesh(core_axis_name="c", subcore_axis_name="s")
    run = functools.partial(
        pl.kernel, mesh=mesh,
        compiler_params=pltpu.CompilerParams(needs_layout_passes=False),
        out_type=jax.ShapeDtypeStruct((N_TOK, D), _F32),
        scratch_types=[
            pltpu.VMEM((TPW,), jnp.int32),
            pltpu.VMEM((TPW,), jnp.int32),
            pltpu.VMEM((POS_STAGE, D), _F32),
            pltpu.VMEM((2, D), _F32),
            pltpu.VMEM((D,), _F32),
            pltpu.VMEM((D,), _F32),
            pltpu.VMEM((CH, D), _F32),
            pltpu.SemaphoreType.DMA,
        ],
    )(_body)
    out = run(ids, tti, token_table, pos_table, seg_table, gamma, beta)
    return out.reshape(BATCH, SEQ, D)

# --- scband reference (transcript-rebuilt; emitter-appended) ---
"""Pipeline reference for scband-bertembedding-89343909691597 (READ-ONLY COPY).

The authoritative reference and input builder live on the scoring server;
editing this copy changes nothing except your own understanding.
"""

import jax, jax.numpy as jnp
import numpy as np

VOCAB = 100000
D_MODEL = 768
MAX_SEQ = 512
BATCH = 1024
SEQ = 50


def setup_inputs(seed: int = 0) -> dict:
    key = jax.random.key(seed)
    k1, k2, k3, k4, k5 = jax.random.split(key, 5)
    input_ids = jax.random.randint(k1, (BATCH, SEQ), 0, VOCAB, dtype=jnp.int64 if jax.config.read('jax_enable_x64') else jnp.int32)
    token_type_ids = jax.random.randint(k2, (BATCH, SEQ), 0, 2, dtype=jnp.int64 if jax.config.read('jax_enable_x64') else jnp.int32)
    token_table = jax.random.normal(k3, (VOCAB, D_MODEL), dtype=jnp.float32) * 0.02
    pos_table = jax.random.normal(k4, (MAX_SEQ, D_MODEL), dtype=jnp.float32) * 0.02
    seg_table = jax.random.normal(k5, (2, D_MODEL), dtype=jnp.float32) * 0.02
    gamma = jnp.ones((D_MODEL,), dtype=jnp.float32)
    beta = jnp.zeros((D_MODEL,), dtype=jnp.float32)
    return {
        'input_ids': input_ids,
        'token_type_ids': token_type_ids,
        'token_table': token_table,
        'pos_table': pos_table,
        'seg_table': seg_table,
        'gamma': gamma,
        'beta': beta,
    }


def reference(input_ids, token_type_ids, token_table, pos_table, seg_table, gamma, beta):
    seq_len = input_ids.shape[1]
    # token embedding: gather rows from table
    tok_emb = jnp.take(token_table, input_ids, axis=0)            # [B, S, D]
    # position embedding: rows 0..seq_len-1, broadcast over batch
    pos_emb = pos_table[:seq_len][None, :, :]                      # [1, S, D]
    # segment embedding
    seg_emb = jnp.take(seg_table, token_type_ids, axis=0)          # [B, S, D]
    emb = tok_emb + pos_emb + seg_emb
    # LayerNorm over last dim (eps=1e-5, matching nn.LayerNorm default)
    mu = jnp.mean(emb, axis=-1, keepdims=True)
    var = jnp.mean((emb - mu) ** 2, axis=-1, keepdims=True)
    normed = (emb - mu) / jnp.sqrt(var + 1e-5)
    out = normed * gamma + beta
    # dropout is identity in eval mode
    return out

if __name__ == "__main__":
    import jax
    _d = setup_inputs()
    print(jax.jit(kernel)(*tuple(_d.values())))

</pallas_src>

<mosaic_0001>
#map = affine_map<(d0, d1) -> (0)>
#map1 = affine_map<(d0, d1) -> (0, 0)>
module attributes {stable_mosaic.version = 14 : i64} {
  func.func @_body(%arg0: i32, %arg1: i32, %arg2: memref<51200xi32, #tpu.memory_space<hbm>>, %arg3: memref<51200xi32, #tpu.memory_space<hbm>>, %arg4: memref<100000x768xf32, #tpu.memory_space<hbm>>, %arg5: memref<512x768xf32, #tpu.memory_space<hbm>>, %arg6: memref<2x768xf32, #tpu.memory_space<hbm>>, %arg7: memref<768xf32, #tpu.memory_space<hbm>>, %arg8: memref<768xf32, #tpu.memory_space<hbm>>, %arg9: memref<51200x768xf32, #tpu.memory_space<hbm>>, %arg10: memref<1600xi32, #tpu.memory_space<vmem>>, %arg11: memref<1600xi32, #tpu.memory_space<vmem>>, %arg12: memref<56x768xf32, #tpu.memory_space<vmem>>, %arg13: memref<2x768xf32, #tpu.memory_space<vmem>>, %arg14: memref<768xf32, #tpu.memory_space<vmem>>, %arg15: memref<768xf32, #tpu.memory_space<vmem>>, %arg16: memref<32x768xf32, #tpu.memory_space<vmem>>, %arg17: memref<!tpu.dma_semaphore, #tpu.memory_space<semaphore_mem>>) attributes {dimension_semantics = [#tpu.dimension_semantics<core_parallel>, #tpu.dimension_semantics<subcore_parallel>], iteration_bounds = array<i64: 2, 16>, scalar_prefetch = 0 : i64, scratch_operands = 8 : i64, tpu.core_type = #tpu.core_type<sc_vector_subcore>, window_params = [{transform_indices = #map}, {transform_indices = #map}, {transform_indices = #map1}, {transform_indices = #map1}, {transform_indices = #map1}, {transform_indices = #map}, {transform_indices = #map}, {transform_indices = #map1}]} {
    %mul3A = arith.constant 2 : i32
    %mul3A_0 = arith.muli %arg1, %mul3A : i32
    %add3A = arith.addi %mul3A_0, %arg0 : i32
    %mul3A_1 = arith.constant 1600 : i32
    %mul3A_2 = arith.muli %add3A, %mul3A_1 : i32
    "tpu.region"() ({
      %run_scoped3A = tpu.sem_alloc : memref<!tpu.dma_semaphore, #tpu.memory_space<semaphore_mem>>
      %dma_start3A = tpu.memref_slice %arg2[%mul3A_2] : memref<51200xi32, #tpu.memory_space<hbm>> -> memref<1600xi32, #tpu.memory_space<hbm>>
      %dma_start3A_24 = tpu.memref_slice %arg2[%mul3A_2] : memref<51200xi32, #tpu.memory_space<hbm>> -> memref<1600xi32, #tpu.memory_space<hbm>>
      tpu.enqueue_dma source(%dma_start3A_24 : memref<1600xi32, #tpu.memory_space<hbm>>) target(%arg10 : memref<1600xi32, #tpu.memory_space<vmem>>) target_semaphore(%run_scoped3A : memref<!tpu.dma_semaphore, #tpu.memory_space<semaphore_mem>>)
      %dma_wait3A = tpu.memref_slice %arg2[%mul3A_2] : memref<51200xi32, #tpu.memory_space<hbm>> -> memref<1600xi32, #tpu.memory_space<hbm>>
      %dma_wait3A_25 = tpu.memref_slice %arg2[%mul3A_2] : memref<51200xi32, #tpu.memory_space<hbm>> -> memref<1600xi32, #tpu.memory_space<hbm>>
      tpu.wait_dma2 semaphore(%run_scoped3A : memref<!tpu.dma_semaphore, #tpu.memory_space<semaphore_mem>>) src(%dma_wait3A_25 : memref<1600xi32, #tpu.memory_space<hbm>>) dst(%arg10 : memref<1600xi32, #tpu.memory_space<vmem>>)
      tpu.yield
    }) : () -> ()
    "tpu.region"() ({
      %run_scoped3A = tpu.sem_alloc : memref<!tpu.dma_semaphore, #tpu.memory_space<semaphore_mem>>
      %dma_start3A = tpu.memref_slice %arg3[%mul3A_2] : memref<51200xi32, #tpu.memory_space<hbm>> -> memref<1600xi32, #tpu.memory_space<hbm>>
      %dma_start3A_24 = tpu.memref_slice %arg3[%mul3A_2] : memref<51200xi32, #tpu.memory_space<hbm>> -> memref<1600xi32, #tpu.memory_space<hbm>>
      tpu.enqueue_dma source(%dma_start3A_24 : memref<1600xi32, #tpu.memory_space<hbm>>) target(%arg11 : memref<1600xi32, #tpu.memory_space<vmem>>) target_semaphore(%run_scoped3A : memref<!tpu.dma_semaphore, #tpu.memory_space<semaphore_mem>>)
      %dma_wait3A = tpu.memref_slice %arg3[%mul3A_2] : memref<51200xi32, #tpu.memory_space<hbm>> -> memref<1600xi32, #tpu.memory_space<hbm>>
      %dma_wait3A_25 = tpu.memref_slice %arg3[%mul3A_2] : memref<51200xi32, #tpu.memory_space<hbm>> -> memref<1600xi32, #tpu.memory_space<hbm>>
      tpu.wait_dma2 semaphore(%run_scoped3A : memref<!tpu.dma_semaphore, #tpu.memory_space<semaphore_mem>>) src(%dma_wait3A_25 : memref<1600xi32, #tpu.memory_space<hbm>>) dst(%arg11 : memref<1600xi32, #tpu.memory_space<vmem>>)
      tpu.yield
    }) : () -> ()
    "tpu.region"() ({
      %run_scoped3A = tpu.sem_alloc : memref<!tpu.dma_semaphore, #tpu.memory_space<semaphore_mem>>
      %dma_start3A = arith.constant 0 : i32
      %dma_start3A_24 = arith.constant 0 : i32
      %dma_start3A_25 = tpu.memref_slice %arg5[%dma_start3A, %dma_start3A_24] : memref<512x768xf32, #tpu.memory_space<hbm>> -> memref<56x768xf32, #tpu.memory_space<hbm>>
      %dma_start3A_26 = arith.constant 0 : i32
      %dma_start3A_27 = arith.constant 0 : i32
      %dma_start3A_28 = tpu.memref_slice %arg5[%dma_start3A_26, %dma_start3A_27] : memref<512x768xf32, #tpu.memory_space<hbm>> -> memref<56x768xf32, #tpu.memory_space<hbm>>
      tpu.enqueue_dma source(%dma_start3A_28 : memref<56x768xf32, #tpu.memory_space<hbm>>) target(%arg12 : memref<56x768xf32, #tpu.memory_space<vmem>>) target_semaphore(%run_scoped3A : memref<!tpu.dma_semaphore, #tpu.memory_space<semaphore_mem>>)
      %dma_wait3A = arith.constant 0 : i32
      %dma_wait3A_29 = arith.constant 0 : i32
      %dma_wait3A_30 = tpu.memref_slice %arg5[%dma_wait3A, %dma_wait3A_29] : memref<512x768xf32, #tpu.memory_space<hbm>> -> memref<56x768xf32, #tpu.memory_space<hbm>>
      %dma_wait3A_31 = arith.constant 0 : i32
      %dma_wait3A_32 = arith.constant 0 : i32
      %dma_wait3A_33 = tpu.memref_slice %arg5[%dma_wait3A_31, %dma_wait3A_32] : memref<512x768xf32, #tpu.memory_space<hbm>> -> memref<56x768xf32, #tpu.memory_space<hbm>>
      tpu.wait_dma2 semaphore(%run_scoped3A : memref<!tpu.dma_semaphore, #tpu.memory_space<semaphore_mem>>) src(%dma_wait3A_33 : memref<56x768xf32, #tpu.memory_space<hbm>>) dst(%arg12 : memref<56x768xf32, #tpu.memory_space<vmem>>)
      tpu.yield
    }) : () -> ()
    "tpu.region"() ({
      %run_scoped3A = tpu.sem_alloc : memref<!tpu.dma_semaphore, #tpu.memory_space<semaphore_mem>>
      tpu.enqueue_dma source(%arg6 : memref<2x768xf32, #tpu.memory_space<hbm>>) target(%arg13 : memref<2x768xf32, #tpu.memory_space<vmem>>) target_semaphore(%run_scoped3A : memref<!tpu.dma_semaphore, #tpu.memory_space<semaphore_mem>>)
      tpu.wait_dma2 semaphore(%run_scoped3A : memref<!tpu.dma_semaphore, #tpu.memory_space<semaphore_mem>>) src(%arg6 : memref<2x768xf32, #tpu.memory_space<hbm>>) dst(%arg13 : memref<2x768xf32, #tpu.memory_space<vmem>>)
      tpu.yield
    }) : () -> ()
    "tpu.region"() ({
      %run_scoped3A = tpu.sem_alloc : memref<!tpu.dma_semaphore, #tpu.memory_space<semaphore_mem>>
      tpu.enqueue_dma source(%arg7 : memref<768xf32, #tpu.memory_space<hbm>>) target(%arg14 : memref<768xf32, #tpu.memory_space<vmem>>) target_semaphore(%run_scoped3A : memref<!tpu.dma_semaphore, #tpu.memory_space<semaphore_mem>>)
      tpu.wait_dma2 semaphore(%run_scoped3A : memref<!tpu.dma_semaphore, #tpu.memory_space<semaphore_mem>>) src(%arg7 : memref<768xf32, #tpu.memory_space<hbm>>) dst(%arg14 : memref<768xf32, #tpu.memory_space<vmem>>)
      tpu.yield
    }) : () -> ()
    "tpu.region"() ({
      %run_scoped3A = tpu.sem_alloc : memref<!tpu.dma_semaphore, #tpu.memory_space<semaphore_mem>>
      tpu.enqueue_dma source(%arg8 : memref<768xf32, #tpu.memory_space<hbm>>) target(%arg15 : memref<768xf32, #tpu.memory_space<vmem>>) target_semaphore(%run_scoped3A : memref<!tpu.dma_semaphore, #tpu.memory_space<semaphore_mem>>)
      tpu.wait_dma2 semaphore(%run_scoped3A : memref<!tpu.dma_semaphore, #tpu.memory_space<semaphore_mem>>) src(%arg8 : memref<768xf32, #tpu.memory_space<hbm>>) dst(%arg15 : memref<768xf32, #tpu.memory_space<vmem>>)
      tpu.yield
    }) : () -> ()
    %scan3A = arith.constant 0 : i32
    %scan3A_3 = arith.constant 0 : i32
    %scan3A_4 = arith.constant 2400 : i32
    %scan3A_5 = arith.addi %scan3A_3, %scan3A_4 : i32
    %scan3A_6 = arith.constant 1 : i32
    %scan3A_7 = scf.for %scan3A_24 = %scan3A_3 to %scan3A_5 step %scan3A_6 iter_args(%scan3A_25 = %scan3A) -> (i32)  : i32 {
      %jit3A = arith.constant 48 : i32
      %div3A = arith.divsi %scan3A_24, %jit3A : i32
      %sign3A = arith.constant 0 : i32
      %sign3A_26 = arith.cmpi sgt, %scan3A_24, %sign3A : i32
      %sign3A_27 = arith.extui %sign3A_26 : i1 to i32
      %sign3A_28 = arith.constant 0 : i32
      %sign3A_29 = arith.cmpi slt, %scan3A_24, %sign3A_28 : i32
      %sign3A_30 = arith.extui %sign3A_29 : i1 to i32
      %sign3A_31 = arith.subi %sign3A_27, %sign3A_30 : i32
      %sign3A_32 = arith.constant 0 : i32
      %sign3A_33 = arith.cmpi sgt, %jit3A, %sign3A_32 : i32
      %sign3A_34 = arith.extui %sign3A_33 : i1 to i32
      %sign3A_35 = arith.constant 0 : i32
      %sign3A_36 = arith.cmpi slt, %jit3A, %sign3A_35 : i32
      %sign3A_37 = arith.extui %sign3A_36 : i1 to i32
      %sign3A_38 = arith.subi %sign3A_34, %sign3A_37 : i32
      %ne3A = arith.cmpi ne, %sign3A_31, %sign3A_38 : i32
      %rem3A = arith.remsi %scan3A_24, %jit3A : i32
      %ne3A_39 = arith.constant 0 : i32
      %ne3A_40 = arith.cmpi ne, %rem3A, %ne3A_39 : i32
      %and3A = arith.andi %ne3A, %ne3A_40 : i1
      %sub3A = arith.constant 1 : i32
      %sub3A_41 = arith.subi %div3A, %sub3A : i32
      %select_n3A = arith.select %and3A, %sub3A_41, %div3A : i32
      %jit3A_42 = arith.constant 48 : i32
      %eq3A = arith.constant 0 : i32
      %eq3A_43 = arith.cmpi eq, %jit3A_42, %eq3A : i32
      %jit3A_44 = arith.constant 1 : i32
      %select_n3A_45 = arith.select %eq3A_43, %jit3A_44, %jit3A_42 : i32
      %rem3A_46 = arith.remsi %scan3A_24, %select_n3A_45 : i32
      %ne3A_47 = arith.constant 0 : i32
      %ne3A_48 = arith.cmpi ne, %rem3A_46, %ne3A_47 : i32
      %lt3A = arith.constant 0 : i32
      %lt3A_49 = arith.cmpi slt, %rem3A_46, %lt3A : i32
      %lt3A_50 = arith.constant 0 : i32
      %lt3A_51 = arith.cmpi slt, %select_n3A_45, %lt3A_50 : i32
      %ne3A_52 = arith.xori %lt3A_49, %lt3A_51 : i1
      %and3A_53 = arith.andi %ne3A_52, %ne3A_48 : i1
      %add3A_54 = arith.addi %rem3A_46, %select_n3A_45 : i32
      %select_n3A_55 = arith.select %and3A_53, %add3A_54, %rem3A_46 : i32
      %mul3A_56 = arith.constant 16 : i32
      %mul3A_57 = arith.muli %select_n3A_55, %mul3A_56 : i32
      %get3A = arith.index_cast %select_n3A : i32 to index
      %get3A_58 = arith.index_cast %mul3A_57 : i32 to index
      %get3A_59 = tpu.vector_load %arg12[%get3A, %get3A_58] {strides = array<i32>} : memref<56x768xf32, #tpu.memory_space<vmem>>, vector<16xf32>,
      %mul3A_60 = arith.constant 16 : i32
      %mul3A_61 = arith.muli %select_n3A_55, %mul3A_60 : i32
      %get3A_62 = arith.constant 0 : i32
      %get3A_63 = arith.index_cast %get3A_62 : i32 to index
      %get3A_64 = arith.index_cast %mul3A_61 : i32 to index
      %get3A_65 = tpu.vector_load %arg13[%get3A_63, %get3A_64] {strides = array<i32>} : memref<2x768xf32, #tpu.memory_space<vmem>>, vector<16xf32>,
      %add3A_66 = arith.addf %get3A_59, %get3A_65 : vector<16xf32>
      %mul3A_67 = arith.constant 16 : i32
      %mul3A_68 = arith.muli %select_n3A_55, %mul3A_67 : i32
      %swap3A = arith.index_cast %select_n3A : i32 to index
      %swap3A_69 = arith.index_cast %mul3A_68 : i32 to index
      %swap3A_70 = tpu.vector_load %arg12[%swap3A, %swap3A_69] {strides = array<i32>} : memref<56x768xf32, #tpu.memory_space<vmem>>, vector<16xf32>,
      tpu.vector_store %arg12[%swap3A, %swap3A_69], %add3A_66 {strides = array<i32>} : memref<56x768xf32, #tpu.memory_space<vmem>>, vector<16xf32>,
      %scan3A_71 = arith.constant 0 : i32
      scf.yield %scan3A_71 : i32
    }
    %scan3A_8 = arith.constant 2400 : i32
    %scan3A_9 = arith.constant 0 : i32
    %scan3A_10 = arith.constant 0 : i32
    %scan3A_11 = arith.constant 48 : i32
    %scan3A_12 = arith.addi %scan3A_10, %scan3A_11 : i32
    %scan3A_13 = arith.constant 1 : i32
    %scan3A_14 = scf.for %scan3A_24 = %scan3A_10 to %scan3A_12 step %scan3A_13 iter_args(%scan3A_25 = %scan3A_9) -> (i32)  : i32 {
      %mul3A_26 = arith.constant 16 : i32
      %mul3A_27 = arith.muli %scan3A_24, %mul3A_26 : i32
      %get3A = arith.constant 1 : i32
      %get3A_28 = arith.index_cast %get3A : i32 to index
      %get3A_29 = arith.index_cast %mul3A_27 : i32 to index
      %get3A_30 = tpu.vector_load %arg13[%get3A_28, %get3A_29] {strides = array<i32>} : memref<2x768xf32, #tpu.memory_space<vmem>>, vector<16xf32>,
      %mul3A_31 = arith.constant 16 : i32
      %mul3A_32 = arith.muli %scan3A_24, %mul3A_31 : i32
      %get3A_33 = arith.constant 0 : i32
      %get3A_34 = arith.index_cast %get3A_33 : i32 to index
      %get3A_35 = arith.index_cast %mul3A_32 : i32 to index
      %get3A_36 = tpu.vector_load %arg13[%get3A_34, %get3A_35] {strides = array<i32>} : memref<2x768xf32, #tpu.memory_space<vmem>>, vector<16xf32>,
      %sub3A = arith.subf %get3A_30, %get3A_36 : vector<16xf32>
      %mul3A_37 = arith.constant 16 : i32
      %mul3A_38 = arith.muli %scan3A_24, %mul3A_37 : i32
      %swap3A = arith.constant 1 : i32
      %swap3A_39 = arith.index_cast %swap3A : i32 to index
      %swap3A_40 = arith.index_cast %mul3A_38 : i32 to index
      %swap3A_41 = tpu.vector_load %arg13[%swap3A_39, %swap3A_40] {strides = array<i32>} : memref<2x768xf32, #tpu.memory_space<vmem>>, vector<16xf32>,
      tpu.vector_store %arg13[%swap3A_39, %swap3A_40], %sub3A {strides = array<i32>} : memref<2x768xf32, #tpu.memory_space<vmem>>, vector<16xf32>,
      %scan3A_42 = arith.constant 0 : i32
      scf.yield %scan3A_42 : i32
    }
    %scan3A_15 = arith.constant 48 : i32
    %broadcast_in_dim3A = arith.constant 0.000000e+00 : f32
    %broadcast_in_dim3A_16 = vector.broadcast %broadcast_in_dim3A : f32 to vector<16xf32>
    %iota3A = tpu.iota {dimensions = array<i32: 0>} : vector<16xi32>
    %scan3A_17 = arith.constant 0 : i32
    %scan3A_18 = arith.constant 0 : i32
    %scan3A_19 = arith.constant 50 : i32
    %scan3A_20 = arith.addi %scan3A_18, %scan3A_19 : i32
    %scan3A_21 = arith.constant 1 : i32
    %scan3A_22 = scf.for %scan3A_24 = %scan3A_18 to %scan3A_20 step %scan3A_21 iter_args(%scan3A_25 = %scan3A_17) -> (i32)  : i32 {
      %mul3A_26 = arith.constant 32 : i32
      %mul3A_27 = arith.muli %scan3A_24, %mul3A_26 : i32
      %dma_start3A = tpu.memref_slice %arg10[%mul3A_27] : memref<1600xi32, #tpu.memory_space<vmem>> -> memref<32xi32, #tpu.memory_space<vmem>>
      %dma_start3A_28 = arith.constant 0 : i32
      %dma_start3A_29 = arith.constant 0 : i32
      %dma_start3A_30 = tpu.memref_slice %arg4[%dma_start3A_28, %dma_start3A_29] : memref<100000x768xf32, #tpu.memory_space<hbm>> -> memref<100000x768xf32, #tpu.memory_space<hbm>>
      tpu.enqueue_indirect_dma source(%dma_start3A_30 : memref<100000x768xf32, #tpu.memory_space<hbm>>) target(%arg16 : memref<32x768xf32, #tpu.memory_space<vmem>>) offsets(%dma_start3A : memref<32xi32, #tpu.memory_space<vmem>>) semaphore(%arg17 : memref<!tpu.dma_semaphore, #tpu.memory_space<semaphore_mem>>)
      %dma_wait3A = tpu.memref_slice %arg10[%mul3A_27] : memref<1600xi32, #tpu.memory_space<vmem>> -> memref<32xi32, #tpu.memory_space<vmem>>
      %dma_wait3A_31 = arith.constant 0 : i32
      %dma_wait3A_32 = arith.constant 0 : i32
      %dma_wait3A_33 = tpu.memref_slice %arg4[%dma_wait3A_31, %dma_wait3A_32] : memref<100000x768xf32, #tpu.memory_space<hbm>> -> memref<100000x768xf32, #tpu.memory_space<hbm>>
      tpu.wait_indirect_dma semaphore(%arg17 : memref<!tpu.dma_semaphore, #tpu.memory_space<semaphore_mem>>) src(%dma_wait3A_33 : memref<100000x768xf32, #tpu.memory_space<hbm>>) dst(%arg16 : memref<32x768xf32, #tpu.memory_space<vmem>>)
      %scan3A_34 = arith.constant 0 : i32
      %scan3A_35 = arith.constant 0 : i32
      %scan3A_36 = arith.constant 32 : i32
      %scan3A_37 = arith.addi %scan3A_35, %scan3A_36 : i32
      %scan3A_38 = arith.constant 1 : i32
      %scan3A_39 = scf.for %scan3A_45 = %scan3A_35 to %scan3A_37 step %scan3A_38 iter_args(%scan3A_46 = %scan3A_34) -> (i32)  : i32 {
        %mul3A_47 = arith.constant 32 : i32
        %mul3A_48 = arith.muli %scan3A_24, %mul3A_47 : i32
        %add3A_49 = arith.addi %mul3A_48, %scan3A_45 : i32
        %rem3A = arith.constant 50 : i32
        %rem3A_50 = arith.remsi %add3A_49, %rem3A : i32
        %jit3A = arith.constant 16 : i32
        %div3A = arith.divsi %add3A_49, %jit3A : i32
        %sign3A = arith.constant 0 : i32
        %sign3A_51 = arith.cmpi sgt, %add3A_49, %sign3A : i32
        %sign3A_52 = arith.extui %sign3A_51 : i1 to i32
        %sign3A_53 = arith.constant 0 : i32
        %sign3A_54 = arith.cmpi slt, %add3A_49, %sign3A_53 : i32
        %sign3A_55 = arith.extui %sign3A_54 : i1 to i32
        %sign3A_56 = arith.subi %sign3A_52, %sign3A_55 : i32
        %sign3A_57 = arith.constant 0 : i32
        %sign3A_58 = arith.cmpi sgt, %jit3A, %sign3A_57 : i32
        %sign3A_59 = arith.extui %sign3A_58 : i1 to i32
        %sign3A_60 = arith.constant 0 : i32
        %sign3A_61 = arith.cmpi slt, %jit3A, %sign3A_60 : i32
        %sign3A_62 = arith.extui %sign3A_61 : i1 to i32
        %sign3A_63 = arith.subi %sign3A_59, %sign3A_62 : i32
        %ne3A = arith.cmpi ne, %sign3A_56, %sign3A_63 : i32
        %rem3A_64 = arith.remsi %add3A_49, %jit3A : i32
        %ne3A_65 = arith.constant 0 : i32
        %ne3A_66 = arith.cmpi ne, %rem3A_64, %ne3A_65 : i32
        %and3A = arith.andi %ne3A, %ne3A_66 : i1
        %sub3A = arith.constant 1 : i32
        %sub3A_67 = arith.subi %div3A, %sub3A : i32
        %select_n3A = arith.select %and3A, %sub3A_67, %div3A : i32
        %mul3A_68 = arith.constant 16 : i32
        %mul3A_69 = arith.muli %select_n3A, %mul3A_68 : i32
        %get3A = arith.index_cast %mul3A_69 : i32 to index
        %get3A_70 = tpu.vector_load %arg11[%get3A] {strides = array<i32>} : memref<1600xi32, #tpu.memory_space<vmem>>, vector<16xi32>,
        %rem3A_71 = arith.constant 16 : i32
        %rem3A_72 = arith.remsi %scan3A_45, %rem3A_71 : i32
        %broadcast_in_dim3A_73 = vector.broadcast %rem3A_72 : i32 to vector<16xi32>
        %lt3A = arith.constant 0 : i32
        %lt3A_74 = vector.broadcast %lt3A : i32 to vector<16xi32>
        %lt3A_75 = arith.cmpi slt, %broadcast_in_dim3A_73, %lt3A_74 : vector<16xi32>
        %add3A_76 = arith.constant 16 : i32
        %add3A_77 = vector.broadcast %add3A_76 : i32 to vector<16xi32>
        %add3A_78 = arith.addi %broadcast_in_dim3A_73, %add3A_77 : vector<16xi32>
        %select_n3A_79 = arith.select %lt3A_75, %add3A_78, %broadcast_in_dim3A_73 : vector<16xi1>, vector<16xi32>
        %broadcast_in_dim3A_80 = vector.shape_cast %select_n3A_79 : vector<16xi32> to vector<16x1xi32>
        %gather3A = vector.shape_cast %broadcast_in_dim3A_80 : vector<16x1xi32> to vector<16xi32>
        %gather3A_81 = tpu.dynamic_gather %get3A_70[%gather3A] in [0] : vector<16xi32>, vector<16xi32> -> vector<16xi32>
        %convert_element_type3A = arith.sitofp %gather3A_81 : vector<16xi32> to vector<16xf32>
        %scan3A_82 = arith.constant 0 : i32
        %scan3A_83 = arith.constant 48 : i32
        %scan3A_84 = arith.addi %scan3A_82, %scan3A_83 : i32
        %scan3A_85 = arith.constant 1 : i32
        %scan3A_86:2 = scf.for %scan3A_155 = %scan3A_82 to %scan3A_84 step %scan3A_85 iter_args(%scan3A_156 = %broadcast_in_dim3A_16, %scan3A_157 = %broadcast_in_dim3A_16) -> (vector<16xf32>, vector<16xf32>)  : i32 {
          %mul3A_158 = arith.constant 16 : i32
          %mul3A_159 = arith.muli %scan3A_155, %mul3A_158 : i32
          %get3A_160 = arith.index_cast %scan3A_45 : i32 to index
          %get3A_161 = arith.index_cast %mul3A_159 : i32 to index
          %get3A_162 = tpu.vector_load %arg16[%get3A_160, %get3A_161] {strides = array<i32>} : memref<32x768xf32, #tpu.memory_space<vmem>>, vector<16xf32>,
          %mul3A_163 = arith.constant 16 : i32
          %mul3A_164 = arith.muli %scan3A_155, %mul3A_163 : i32
          %get3A_165 = arith.index_cast %rem3A_50 : i32 to index
          %get3A_166 = arith.index_cast %mul3A_164 : i32 to index
          %get3A_167 = tpu.vector_load %arg12[%get3A_165, %get3A_166] {strides = array<i32>} : memref<56x768xf32, #tpu.memory_space<vmem>>, vector<16xf32>,
          %add3A_168 = arith.addf %get3A_162, %get3A_167 : vector<16xf32>
          %mul3A_169 = arith.constant 16 : i32
          %mul3A_170 = arith.muli %scan3A_155, %mul3A_169 : i32
          %get3A_171 = arith.constant 1 : i32
          %get3A_172 = arith.index_cast %get3A_171 : i32 to index
          %get3A_173 = arith.index_cast %mul3A_170 : i32 to index
          %get3A_174 = tpu.vector_load %arg13[%get3A_172, %get3A_173] {strides = array<i32>} : memref<2x768xf32, #tpu.memory_space<vmem>>, vector<16xf32>,
          %mul3A_175 = arith.mulf %convert_element_type3A, %get3A_174 : vector<16xf32>
          %add3A_176 = arith.addf %add3A_168, %mul3A_175 : vector<16xf32>
          %mul3A_177 = arith.constant 16 : i32
          %mul3A_178 = arith.muli %scan3A_155, %mul3A_177 : i32
          %swap3A = arith.index_cast %scan3A_45 : i32 to index
          %swap3A_179 = arith.index_cast %mul3A_178 : i32 to index
          %swap3A_180 = tpu.vector_load %arg16[%swap3A, %swap3A_179] {strides = array<i32>} : memref<32x768xf32, #tpu.memory_space<vmem>>, vector<16xf32>,
          tpu.vector_store %arg16[%swap3A, %swap3A_179], %add3A_176 {strides = array<i32>} : memref<32x768xf32, #tpu.memory_space<vmem>>, vector<16xf32>,
          %add3A_181 = arith.addf %scan3A_156, %add3A_176 : vector<16xf32>
          %mul3A_182 = arith.mulf %add3A_176, %add3A_176 : vector<16xf32>
          %add3A_183 = arith.addf %scan3A_157, %mul3A_182 : vector<16xf32>
          scf.yield %add3A_181, %add3A_183 : vector<16xf32>, vector<16xf32>
        }
        %scan3A_87 = arith.constant 48 : i32
        %reduce_sum3A = arith.constant true
        %reduce_sum3A_88 = vector.broadcast %reduce_sum3A : i1 to vector<16xi1>
        %reduce_sum3A_89 = tpu.scan <sum>, %scan3A_86#0 masked %reduce_sum3A_88 : vector<16xf32>, vector<16xi1> -> vector<16xf32>
        %reduce_sum3A_90 = vector.extract %reduce_sum3A_89[15] : f32 from vector<16xf32>
        %mul3A_91 = arith.constant 0.00130208337 : f32
        %mul3A_92 = arith.mulf %reduce_sum3A_90, %mul3A_91 : f32
        %reduce_sum3A_93 = arith.constant true
        %reduce_sum3A_94 = vector.broadcast %reduce_sum3A_93 : i1 to vector<16xi1>
        %reduce_sum3A_95 = tpu.scan <sum>, %scan3A_86#1 masked %reduce_sum3A_94 : vector<16xf32>, vector<16xi1> -> vector<16xf32>
        %reduce_sum3A_96 = vector.extract %reduce_sum3A_95[15] : f32 from vector<16xf32>
        %mul3A_97 = arith.constant 0.00130208337 : f32
        %mul3A_98 = arith.mulf %reduce_sum3A_96, %mul3A_97 : f32
        %mul3A_99 = arith.mulf %mul3A_92, %mul3A_92 : f32
        %sub3A_100 = arith.subf %mul3A_98, %mul3A_99 : f32
        %add3A_101 = arith.constant 9.99999974E-6 : f32
        %add3A_102 = arith.addf %sub3A_100, %add3A_101 : f32
        %broadcast_in_dim3A_103 = vector.broadcast %add3A_102 : f32 to vector<16xf32>
        %bitcast_convert_type3A = tpu.bitcast %broadcast_in_dim3A_103 : vector<16xf32> -> vector<16xi32>
        %shift_right_arithmetic3A = arith.constant 1 : i32
        %shift_right_arithmetic3A_104 = vector.broadcast %shift_right_arithmetic3A : i32 to vector<16xi32>
        %shift_right_arithmetic3A_105 = arith.shrsi %bitcast_convert_type3A, %shift_right_arithmetic3A_104 : vector<16xi32>
        %sub3A_106 = arith.constant 1597463007 : i32
        %sub3A_107 = vector.broadcast %sub3A_106 : i32 to vector<16xi32>
        %sub3A_108 = arith.subi %sub3A_107, %shift_right_arithmetic3A_105 : vector<16xi32>
        %bitcast_convert_type3A_109 = tpu.bitcast %sub3A_108 : vector<16xi32> -> vector<16xf32>
        %mul3A_110 = arith.constant 5.000000e-01 : f32
        %mul3A_111 = vector.broadcast %mul3A_110 : f32 to vector<16xf32>
        %mul3A_112 = arith.mulf %mul3A_111, %broadcast_in_dim3A_103 : vector<16xf32>
        %mul3A_113 = arith.mulf %mul3A_112, %bitcast_convert_type3A_109 : vector<16xf32>
        %mul3A_114 = arith.mulf %mul3A_113, %bitcast_convert_type3A_109 : vector<16xf32>
        %sub3A_115 = arith.constant 1.500000e+00 : f32
        %sub3A_116 = vector.broadcast %sub3A_115 : f32 to vector<16xf32>
        %sub3A_117 = arith.subf %sub3A_116, %mul3A_114 : vector<16xf32>
        %mul3A_118 = arith.mulf %bitcast_convert_type3A_109, %sub3A_117 : vector<16xf32>
        %mul3A_119 = arith.constant 5.000000e-01 : f32
        %mul3A_120 = vector.broadcast %mul3A_119 : f32 to vector<16xf32>
        %mul3A_121 = arith.mulf %mul3A_120, %broadcast_in_dim3A_103 : vector<16xf32>
        %mul3A_122 = arith.mulf %mul3A_121, %mul3A_118 : vector<16xf32>
        %mul3A_123 = arith.mulf %mul3A_122, %mul3A_118 : vector<16xf32>
        %sub3A_124 = arith.constant 1.500000e+00 : f32
        %sub3A_125 = vector.broadcast %sub3A_124 : f32 to vector<16xf32>
        %sub3A_126 = arith.subf %sub3A_125, %mul3A_123 : vector<16xf32>
        %mul3A_127 = arith.mulf %mul3A_118, %sub3A_126 : vector<16xf32>
        %mul3A_128 = arith.constant 5.000000e-01 : f32
        %mul3A_129 = vector.broadcast %mul3A_128 : f32 to vector<16xf32>
        %mul3A_130 = arith.mulf %mul3A_129, %broadcast_in_dim3A_103 : vector<16xf32>
        %mul3A_131 = arith.mulf %mul3A_130, %mul3A_127 : vector<16xf32>
        %mul3A_132 = arith.mulf %mul3A_131, %mul3A_127 : vector<16xf32>
        %sub3A_133 = arith.constant 1.500000e+00 : f32
        %sub3A_134 = vector.broadcast %sub3A_133 : f32 to vector<16xf32>
        %sub3A_135 = arith.subf %sub3A_134, %mul3A_132 : vector<16xf32>
        %mul3A_136 = arith.mulf %mul3A_127, %sub3A_135 : vector<16xf32>
        %mul3A_137 = arith.constant 5.000000e-01 : f32
        %mul3A_138 = vector.broadcast %mul3A_137 : f32 to vector<16xf32>
        %mul3A_139 = arith.mulf %mul3A_138, %broadcast_in_dim3A_103 : vector<16xf32>
        %mul3A_140 = arith.mulf %mul3A_139, %mul3A_136 : vector<16xf32>
        %mul3A_141 = arith.mulf %mul3A_140, %mul3A_136 : vector<16xf32>
        %sub3A_142 = arith.constant 1.500000e+00 : f32
        %sub3A_143 = vector.broadcast %sub3A_142 : f32 to vector<16xf32>
        %sub3A_144 = arith.subf %sub3A_143, %mul3A_141 : vector<16xf32>
        %mul3A_145 = arith.mulf %mul3A_136, %sub3A_144 : vector<16xf32>
        %broadcast_in_dim3A_146 = vector.broadcast %mul3A_92 : f32 to vector<16xf32>
        %scan3A_147 = arith.constant 0 : i32
        %scan3A_148 = arith.constant 0 : i32
        %scan3A_149 = arith.constant 48 : i32
        %scan3A_150 = arith.addi %scan3A_148, %scan3A_149 : i32
        %scan3A_151 = arith.constant 1 : i32
        %scan3A_152 = scf.for %scan3A_155 = %scan3A_148 to %scan3A_150 step %scan3A_151 iter_args(%scan3A_156 = %scan3A_147) -> (i32)  : i32 {
          %mul3A_157 = arith.constant 16 : i32
          %mul3A_158 = arith.muli %scan3A_155, %mul3A_157 : i32
          %get3A_159 = arith.index_cast %scan3A_45 : i32 to index
          %get3A_160 = arith.index_cast %mul3A_158 : i32 to index
          %get3A_161 = tpu.vector_load %arg16[%get3A_159, %get3A_160] {strides = array<i32>} : memref<32x768xf32, #tpu.memory_space<vmem>>, vector<16xf32>,
          %mul3A_162 = arith.constant 16 : i32
          %mul3A_163 = arith.muli %scan3A_155, %mul3A_162 : i32
          %get3A_164 = arith.index_cast %mul3A_163 : i32 to index
          %get3A_165 = tpu.vector_load %arg14[%get3A_164] {strides = array<i32>} : memref<768xf32, #tpu.memory_space<vmem>>, vector<16xf32>,
          %mul3A_166 = arith.constant 16 : i32
          %mul3A_167 = arith.muli %scan3A_155, %mul3A_166 : i32
          %get3A_168 = arith.index_cast %mul3A_167 : i32 to index
          %get3A_169 = tpu.vector_load %arg15[%get3A_168] {strides = array<i32>} : memref<768xf32, #tpu.memory_space<vmem>>, vector<16xf32>,
          %sub3A_170 = arith.subf %get3A_161, %broadcast_in_dim3A_146 : vector<16xf32>
          %mul3A_171 = arith.mulf %mul3A_145, %get3A_165 : vector<16xf32>
          %mul3A_172 = arith.mulf %sub3A_170, %mul3A_171 : vector<16xf32>
          %add3A_173 = arith.addf %mul3A_172, %get3A_169 : vector<16xf32>
          %mul3A_174 = arith.constant 16 : i32
          %mul3A_175 = arith.muli %scan3A_155, %mul3A_174 : i32
          %swap3A = arith.index_cast %scan3A_45 : i32 to index
          %swap3A_176 = arith.index_cast %mul3A_175 : i32 to index
          %swap3A_177 = tpu.vector_load %arg16[%swap3A, %swap3A_176] {strides = array<i32>} : memref<32x768xf32, #tpu.memory_space<vmem>>, vector<16xf32>,
          tpu.vector_store %arg16[%swap3A, %swap3A_176], %add3A_173 {strides = array<i32>} : memref<32x768xf32, #tpu.memory_space<vmem>>, vector<16xf32>,
          %scan3A_178 = arith.constant 0 : i32
          scf.yield %scan3A_178 : i32
        }
        %scan3A_153 = arith.constant 48 : i32
        %scan3A_154 = arith.constant 0 : i32
        scf.yield %scan3A_154 : i32
      }
      %scan3A_40 = arith.constant 32 : i32
      %mul3A_41 = arith.constant 32 : i32
      %mul3A_42 = arith.muli %scan3A_24, %mul3A_41 : i32
      %add3A_43 = arith.addi %mul3A_2, %mul3A_42 : i32
      "tpu.region"() ({
        %run_scoped3A = tpu.sem_alloc : memref<!tpu.dma_semaphore, #tpu.memory_space<semaphore_mem>>
        %dma_start3A_45 = arith.constant 0 : i32
        %dma_start3A_46 = tpu.memref_slice %arg9[%add3A_43, %dma_start3A_45] : memref<51200x768xf32, #tpu.memory_space<hbm>> -> memref<32x768xf32, #tpu.memory_space<hbm>>
        %dma_start3A_47 = arith.constant 0 : i32
        %dma_start3A_48 = tpu.memref_slice %arg9[%add3A_43, %dma_start3A_47] : memref<51200x768xf32, #tpu.memory_space<hbm>> -> memref<32x768xf32, #tpu.memory_space<hbm>>
        tpu.enqueue_dma source(%arg16 : memref<32x768xf32, #tpu.memory_space<vmem>>) target(%dma_start3A_48 : memref<32x768xf32, #tpu.memory_space<hbm>>) target_semaphore(%run_scoped3A : memref<!tpu.dma_semaphore, #tpu.memory_space<semaphore_mem>>)
        %dma_wait3A_49 = arith.constant 0 : i32
        %dma_wait3A_50 = tpu.memref_slice %arg9[%add3A_43, %dma_wait3A_49] : memref<51200x768xf32, #tpu.memory_space<hbm>> -> memref<32x768xf32, #tpu.memory_space<hbm>>
        %dma_wait3A_51 = arith.constant 0 : i32
        %dma_wait3A_52 = tpu.memref_slice %arg9[%add3A_43, %dma_wait3A_51] : memref<51200x768xf32, #tpu.memory_space<hbm>> -> memref<32x768xf32, #tpu.memory_space<hbm>>
        tpu.wait_dma2 semaphore(%run_scoped3A : memref<!tpu.dma_semaphore, #tpu.memory_space<semaphore_mem>>) src(%arg16 : memref<32x768xf32, #tpu.memory_space<vmem>>) dst(%dma_wait3A_52 : memref<32x768xf32, #tpu.memory_space<hbm>>)
        tpu.yield
      }) : () -> ()
      %scan3A_44 = arith.constant 0 : i32
      scf.yield %scan3A_44 : i32
    }
    %scan3A_23 = arith.constant 50 : i32
    return
  }
}

</mosaic_0001>

<sc_bundles>
// kernel: kernel.3.cloned.1.call-start
scs
__scs_entry_jumppad:
0x0: {  	(pc) =	sbr.rel $0x88, $3  }
0x1: {  	(tag) =	ssettag $0x0;
	lr =	simm.s32 $0x1  }
0x2: {  	[smem:$0x3F9A] =	sst lr;
	_ =	strace $0xD0000000  }
0x3: {  	_ = 	snop  }
0x4: {  	_ = 	snop  }
0x5: {  	_ = 	snop  }
0x6: {  	_ = 	snop  }
0x7: {  	_ = 	snop  }
__scs_overlays_trampoline_lowered:
0x8: {  	[smem:$0x3FA9] =	sst s0  }
0x9: {  	[smem:$0x3FAA] =	sst s1  }
0xa: {  	[smem:$0x3FAB] =	sst s2  }
0xb: {  	[smem:$0x3FAC] =	sst s3  }
0xc: {  	[smem:$0x3FAD] =	sst s4  }
0xd: {  	[smem:$0x3FAE] =	sst s5  }
0xe: {  	[smem:$0x3FAF] =	sst s6  }
0xf: {  	[smem:$0x3FB0] =	sst s7  }
0x10: {  	[smem:$0x3FB1] =	sst s8  }
0x11: {  	[smem:$0x3FB2] =	sst s9;
	s0 =	simm.s32 @!p0 $0x0  }
0x12: {  	s1 =	sld [smem:$0x3F98];
	s0 =	simm.s32 @p0 $0x1  }
0x13: {  	[smem:$0x3FB3] =	sst s0;
	s0 =	simm.s32 @!p1 $0x0  }
0x14: {  	s2 =	sld [smem:$0x3F97];
	s0 =	simm.s32 @p1 $0x1  }
0x15: {  	[smem:$0x3FB4] =	sst s0;
	s0 =	simm.s32 @!p2 $0x0  }
0x16: {  	s3 =	sld [smem:$0x3FDB];
	s0 =	simm.s32 @p2 $0x1  }
0x17: {  	s4 =	simm.s32 $0x1BF5;
	[smem:$0x3FB6] =	sst s0  }
0x18: {  	s0 =	sld [smem:$0x3F99];
	_ =	swait.ge [sflag:s4], $0x0  }
0x19: {  	s7 =	sld [smem:$0x3F9A]  }
0x1a: {  	s8 =	sadd.s32 $0xFFFFE003, lr  }
0x1b: {  	s9 =	sadd.s32 $0xFFFFFEF7, lr;
	s5 =	simm.s32 $0xFFFFFFFF;
	p2 =	slt.u32 s8, $0xFFFFF086  }
0x1c: {  	p1 =	slt.u32 s9, $0xF7A;
	s5 =	simm.s32 @!p2 $0x0  }
0x1d: {  	s5 =	simm.s32 @p1 $0x1;
	p0 =	seq.s32 s7, s2  }
0x1e: {  	s7 =	smul.u32 @!p0 $0xF7A, s2;
	p2 =	seq.s32 @!p0 s5, $0x0  }
0x1f: {  	s9 =	smul.u32 $0xF7A, s1;
	s8 =	simm.s32 @!p0 $0x1BF5;
	p2 =	por !p2, p0  }
0x20: {  	[sflag:s8] =	ssyncset.s32 @!p0 $0xFFFFF086;
	s6 =	sadd.s32 @!p0 s3, s7;
	s7 =	simm.s32 @!p0 $0x108  }
0x21: {  	s3 =	sadd.s32 s3, s9;
	s6 =	sadd.s32 @!p0 $0x88, s6;
	s7 =	simm.s32 @p2 $0x1082  }
0x22: {  	[simem:s7], [sflag:s8] =	dma.local @!p0 [hbm:s6], $0xF7A  }
0x23: {  	s9 =	sor.u32 $0xD0000000, s2;
	s6 =	simm.s32 $0x108;
	_ =	swait.ge @!p0 [sflag:s8], $0x0  }
0x24: {  	s3 =	sadd.s32 $0x88, s3;
	s6 =	simm.s32 @!p1 $0x1082;
	[sflag:s4] =	ssyncset.s32 $0xFFFFF086  }
0x25: {  	[simem:s6], [sflag:s4] =	dma.local [hbm:s3], $0xF7A  }
0x26: {  	[smem:$0x3F9A] =	sst s1;
	(tag) =	ssettag s2;
	_ =	strace s9  }
0x27: {  	s1 =	sld [smem:$0x3FAA]  }
0x28: {  	s2 =	sld [smem:$0x3FAB]  }
0x29: {  	s4 =	sld [smem:$0x3FAD]  }
0x2a: {  	p0 =	seq.s32 s5, $0x0;
	s5 =	sld [smem:$0x3FAE]  }
0x2b: {  	s6 =	sld [smem:$0x3FAF]  }
0x2c: {  	s7 =	sld [smem:$0x3FB0]  }
0x2d: {  	s3 =	simm.s32 $0x108;
	s8 =	sld [smem:$0x3FB1]  }
0x2e: {  	s3 =	simm.s32 @!p0 $0x1082;
	s9 =	sld [smem:$0x3FB2]  }
0x2f: {  	lr =	sadd.s32 s0, s3;
	s0 =	sld [smem:$0x3FA9]  }
0x30: {  	s3 =	sld [smem:$0x3FAC]  }
0x31: {  	[smem:$0x3FB5] =	sst s10  }
0x32: {  	s10 =	sld [smem:$0x3FB3];
	_ =	sdelay $0x3  }
0x33: {  	p0 =	seq.s32 s10, $0x1;
	s10 =	sld [smem:$0x3FB5];
	_ =	sdelay $0x3  }
0x34: {  	[smem:$0x3FB5] =	sst s10  }
0x35: {  	s10 =	sld [smem:$0x3FB4];
	_ =	sdelay $0x3  }
0x36: {  	p1 =	seq.s32 s10, $0x1;
	s10 =	sld [smem:$0x3FB5];
	_ =	sdelay $0x3  }
0x37: {  	[smem:$0x3FB5] =	sst s10  }
0x38: {  	s10 =	sld [smem:$0x3FB6]  }
0x39: {  	_ = 	snop;
	(pc) =	sbr.ind lr, $3  }
0x3a: {  	_ = 	snop  }
0x3b: {  	_ = 	snop  }
0x3c: {  	p2 =	seq.s32 s10, $0x1;
	s10 =	sld [smem:$0x3FB5]  }
0x3d: {  	_ =	shalt  }
0x3e: {  	_ =	shalt  }
0x3f: {  	_ =	shalt  }
0x40: {  	_ =	shalt  }
0x41: {  	_ =	shalt  }
0x42: {  	_ =	shalt  }
0x43: {  	_ =	shalt  }
0x44: {  	_ =	shalt  }
0x45: {  	_ =	shalt  }
0x46: {  	_ =	shalt  }
0x47: {  	_ =	shalt  }
0x48: {  	_ =	shalt  }
0x49: {  	_ =	shalt  }
0x4a: {  	_ =	shalt  }
0x4b: {  	_ =	shalt  }
0x4c: {  	_ =	shalt  }
0x4d: {  	_ =	shalt  }
0x4e: {  	_ =	shalt  }
0x4f: {  	_ =	shalt  }
0x50: {  	_ =	shalt  }
0x51: {  	_ =	shalt  }
0x52: {  	_ =	shalt  }
0x53: {  	_ =	shalt  }
0x54: {  	_ =	shalt  }
0x55: {  	_ =	shalt  }
0x56: {  	_ =	shalt  }
0x57: {  	_ =	shalt  }
0x58: {  	_ =	shalt  }
0x59: {  	_ =	shalt  }
0x5a: {  	_ =	shalt  }
0x5b: {  	_ =	shalt  }
0x5c: {  	_ =	shalt  }
0x5d: {  	_ =	shalt  }
0x5e: {  	_ =	shalt  }
0x5f: {  	_ =	shalt  }
0x60: {  	_ =	shalt  }
0x61: {  	_ =	shalt  }
0x62: {  	_ =	shalt  }
0x63: {  	_ =	shalt  }
0x64: {  	_ =	shalt  }
0x65: {  	_ =	shalt  }
0x66: {  	_ =	shalt  }
0x67: {  	_ =	shalt  }
0x68: {  	_ =	shalt  }
0x69: {  	_ =	shalt  }
0x6a: {  	_ =	shalt  }
0x6b: {  	_ =	shalt  }
0x6c: {  	_ =	shalt  }
0x6d: {  	_ =	shalt  }
0x6e: {  	_ =	shalt  }
0x6f: {  	_ =	shalt  }
0x70: {  	_ =	shalt  }
0x71: {  	_ =	shalt  }
0x72: {  	_ =	shalt  }
0x73: {  	_ =	shalt  }
0x74: {  	_ =	shalt  }
0x75: {  	_ =	shalt  }
0x76: {  	_ =	shalt  }
0x77: {  	_ =	shalt  }
0x78: {  	_ =	shalt  }
0x79: {  	_ =	shalt  }
0x7a: {  	_ =	shalt  }
0x7b: {  	_ =	shalt  }
0x7c: {  	_ =	shalt  }
0x7d: {  	_ =	shalt  }
0x7e: {  	_ =	shalt  }
0x7f: {  	_ =	shalt  }
0x80: {  	_ =	shalt  }
0x81: {  	_ =	shalt  }
0x82: {  	_ =	shalt  }
0x83: {  	_ =	shalt  }
0x84: {  	_ =	shalt  }
0x85: {  	_ =	shalt  }
0x86: {  	_ =	shalt  }
0x87: {  	_ =	shalt  }
.Lfunc_end0:
.L_simem_size_0:
called_computation.1_lowered:
.L_overlay_start_0:
0x88: {  	s2 =	sld [smem:$0x3FD9]  }
0x89: {  	s3 =	sld [smem:$0x3FFE];
	_ =	sdelay $0x1  }
0x8a: {  	s1 =	srdreg.scid  }
0x8b: {  	s0 =	sand.u32 $0x1, s1  }
0x8c: {  	s17 =	sshll.u32 s0, $0xA;
	s2 =	sadd.s32 s3, s2  }
0x8d: {  	s2 =	sadd.s32 s2, s17  }
0x8e: {  	[smem:$0x3FC1] =	sst s2  }
0x8f: {  	_ = 	snop  }
0x90: {  	s2 =	sld [smem:$0x3FC7]  }
0x91: {  	s18 =	sld [smem:$0x3FC6]  }
0x92: {  	s4 =	sld [smem:$0x3FC5]  }
0x93: {  	s5 =	sld [smem:$0x3FC4]  }
0x94: {  	s6 =	sld [smem:$0x3FC3]  }
0x95: {  	s7 =	sld [smem:$0x3FD0];
	(tm) =	ssettm $0x1  }
0x96: {  	s8 =	sld [smem:$0x3FFB];
	_ =	sdelay $0x3  }
0x97: {  	_ =	strace s8  }
0x98: {  	s8 =	sld [smem:$0x3FFC];
	_ =	sdelay $0x3  }
0x99: {  	_ =	strace s8  }
0x9a: {  	s8 =	sld [smem:$0x3FFD];
	_ =	sdelay $0x3  }
0x9b: {  	_ =	strace s8  }
0x9c: {  	_ =	strace $0x8FFFFFFF  }
0x9d: {  	s19 =	sld [smem:$0x3FDB];
	_ =	sdelay $0x1  }
0x9e: {  	s9 =	simm.s32 $_scs_section_size  }
0x9f: {  	s10 =	simm.s32 $_size__tile_overlayer_lowered;
	s11 =	simm.s32 $_tile_overlayer_lowered  }
0xa0: {  	s22 =	simm.s32 $0x1BFF;
	s21 =	sshll.u32 s11, $0x1;
	s8 =	sadd.s32 s9, s19  }
0xa1: {  	s12 =	simm.s32 $0x0;
	s20 =	sshll.u32 s10, $0x1;
	s10 =	sadd.s32 s21, s8  }
0xa2: {  	[timem:s12], [sflag:s22] =	dma.local [hbm:s10], s20  }
0xa3: {  	_ =	swait.ge [sflag:s22], s20  }
0xa4: {  	s9 =	ssub.s32 $0x0, s20;
	[sflag:s22] =	ssyncset.done $0x0  }
0xa5: {  	[sflag:s22] =	ssyncadd.s32 s9;
	_ =	sdelay $0x1  }
0xa6: {  	s23 =	simm.s32 $0x1B8B  }
0xa7: {  	_ =	swait.ge [sflag:s23], $0x1  }
0xa8: {  	[sflag:s23] =	ssyncset.done $0x0  }
0xa9: {  	s25 =	simm.s32 $0x1B8E;
	s24 =	sld [smem:$0x3FFE];
	[sflag:s23] =	ssyncadd.s32 $0xFFFFFFFF  }
0xaa: {  	s26 =	simm.s32 $execute0_lowered;
	[smem:$0x3FD2] =	sst s25  }
0xab: {  	s10 =	sshll.u32 s26, $0x1;
	_ =	strace $0x80000046;
	[dreg:$0x1] =	wrdreg $0xFFFFFFFF  }
0xac: {  	s28 =	simm.s32 $_size_execute0_lowered;
	s8 =	sadd.s32 s8, s10;
	[dreg:$0x0] =	wrdreg $0x0  }
0xad: {  	s10 =	sshll.u32 s28, $0x1;
	[dreg:$0x2] =	wrdreg s8  }
0xae: {  	[dreg:$0x3] =	wrdreg s10  }
0xaf: {  	[dreg:$0x4] =	wrdreg $0xC0  }
0xb0: {  	_ =	task [dreg:s12], $0x5FFFF  }
0xb1: {  	[dreg:$0x1] =	wrdreg $0xFFFFFFFF  }
0xb2: {  	[dreg:$0x0] =	wrdreg $0x60  }
0xb3: {  	[dreg:$0x2] =	wrdreg s24  }
0xb4: {  	[dreg:$0x3] =	wrdreg s2  }
0xb5: {  	[dreg:$0x4] =	wrdreg s18  }
0xb6: {  	[dreg:$0x5] =	wrdreg s4  }
0xb7: {  	[dreg:$0x6] =	wrdreg s5  }
0xb8: {  	[dreg:$0x7] =	wrdreg s6  }
0xb9: {  	[dreg:$0x8] =	wrdreg s7  }
0xba: {  	[dreg:$0x9] =	wrdreg $0x9  }
0xbb: {  	_ =	task.clear_ibuf [dreg:s12], $0xAFFFF;
	_ =	strace $0x90000046  }
0xbc: {  	s29 =	simm.s32 $0x9;
	_ =	strace $0x80000048  }
0xbd: {  	_ =	swait.ge [sflag:s29], $0x1  }
0xbe: {  	[sflag:s29] =	ssyncadd.s32 $0xFFFFFFFF  }
0xbf: {  	_ =	strace $0x90000048  }
0xc0: {  	_ =	sfence  }
0xc1: {  	s30 =	sld [smem:$0x0];
	_ =	sdelay $0x2  }
0xc2: {  	s31 =	sshll.u32 s1, $0xD;
	s1 =	sshrl.u32 s1, $0x2  }
0xc3: {  	s3 =	sand.u32 $0x4000, s31;
	s1 =	sadd.s32 s1, s30  }
0xc4: {  	s0 =	sor.u32 s3, s0;
	s1 =	sshll.u32 s1, $0x11  }
0xc5: {  	s0 =	sor.u32 s1, s0  }
0xc6: {  	s0 =	sadd.s32 $0x8F2B, s0  }
0xc7: {  	[sflag:s0] =	ssyncadd.remote.s32 $0x1  }
0xc8: {  	_ =	sfence.sel $0xFFFF  }
0xc9: {  	[dreg:$0x0] =	wrdreg $0xFFFFFFFF;
	(pc) =	sbr.abs _section_cstart, $3  }
0xca: {  	[dreg:$0x1] =	wrdreg $0xFFFFFFFF  }
0xcb: {  	_ =	task.clear_ibuf [dreg:s12], $0x2FFFF;
	_ =	strace $0x9FFFFFFF  }
0xcc: {  	(tm) =	ssettm $0x7FFFFFFF  }
0xcd: {  	_ =	shalt  }
tec
execute0_lowered:
.L_overlay_start_1:
0x0: {  	(tag) =	ssettag $0x1  }
0x1: {  	s0 =	rddreg [dreg:$0x0]  }
0x2: {  	s1 =	rddreg [dreg:$0x1]  }
0x3: {  	s2 =	srdreg.scid;
	s3 =	stileid.u32;
	s9 =	simm.s32 $0x0  }
0x4: {  	s15 =	simm.s32 $0x2;
	s21 =	simm.s32 $0xC100;
	s23 =	simm.s32 $0xD100  }
0x5: {  	s28 =	simm.s32 $0xF100;
	s29 =	simm.s32 $0xF900;
	s30 =	simm.s32 $0x10100  }
0x6: {  	s31 =	simm.s32 $0x10900;
	s2 =	sand.u32 $0x1, s2;
	s3 =	sshll.u32 s3, $0x1  }
0x7: {  	s5 =	simm.s32 $0x11100;
	s18 =	simm.s32 $0x0;
	s3 =	sor.u32 s2, s3  }
0x8: {  	[smem:$0x7FF] =	sst s9;
	s2 =	ssub.s32 $0x2, s2;
	s8 =	smul.u32 $0x640, s3  }
0x9: {  	s12 =	sadd.s32 $0x100, s1;
	s13 =	sadd.s32 $0x200, s1;
	s24 =	sshrl.u32 s2, $0x1  }
0xa: {  	_ =	strace $0x80000047;
	s2 =	ssub.s32 s2, s24;
	s3 =	sshrl.u32 s8, $0x3  }
0xb: {  	s24 =	simm.s32 $0xD900;
	s26 =	smax.u32 s2, $0x1;
	s0 =	sadd.s32 s3, s0  }
0xc: {  	v2 =	vlaneseq.u32;
	s2 =	simm.s32 $0x1;
	[dreg:$0xa] =	wrdreg s26;
	s25 =	sadd.s32 $0x800, s0  }
0xd: {  	vm0 =	vmmov $0xffff;
	v1 =	vshrl.u32 v2, $0x3;
	s26 =	simm.s32 $0xE900;
	s0 =	sadd.s32 $0x2200, s0;
	[dreg:$0x8] =	wrdreg s25  }
0xe: {  	v0 =	vand.u32 $0x7, v2;
	v2 =	vor.u32 $0x8, v2;
	v1 =	vmul.u32 $0x8, v1;
	[dreg:$0x9] =	wrdreg s0;
	s25 =	simm.s32 $0xE100;
	s0 =	simm.s32 $0x11900  }
.LBB2_1:
0xf: {  	s3 =	rddreg [dreg:$0x8]  }
0x10: {  	[tilespmem:s9], [sflag:$0x2] =	stream.linear.gather [hbm4b:s3+s9], $0x640, $0x38;
	[tilespmem:$0x12100] =	vst v63  }
0x11: {  	_ =	swait.ge [sflag:s15], $0x640  }
0x12: {  	[sflag:s15] =	ssyncset.done $0x0  }
0x13: {  	s4 =	simm.s32 $0x680;
	s10 =	rddreg [dreg:$0x9];
	[sflag:s15] =	ssyncadd.s32 $0xFFFFF9C0  }
0x14: {  	[tilespmem:s4], [sflag:$0x2] =	stream.linear.gather [hbm4b:s10+s9], $0x640, $0x38;
	[tilespmem:$0x12100] =	vst v63  }
0x15: {  	_ =	swait.ge [sflag:s15], $0x640  }
0x16: {  	[sflag:s15] =	ssyncset.done $0x0  }
0x17: {  	[sflag:s15] =	ssyncadd.s32 $0xFFFFF9C0  }
0x18: {  	s14 =	simm.s32 $0xD00;
	s11 =	rddreg [dreg:$0x2]  }
0x19: {  	[tilespmem:s14], [sflag:$0x2] =	stream.linear.gather [hbm4b:s11+s9], $0xA800, $0x38;
	[tilespmem:$0x12100] =	vst v63  }
0x1a: {  	_ =	swait.ge [sflag:s15], $0xA800  }
0x1b: {  	[sflag:s15] =	ssyncset.done $0x0  }
0x1c: {  	[sflag:s15] =	ssyncadd.s32 $0xFFFF5800  }
0x1d: {  	s17 =	simm.s32 $0xB500;
	s16 =	rddreg [dreg:$0x3]  }
0x1e: {  	[tilespmem:s17], [sflag:$0x2] =	stream.linear.gather [hbm4b:s16+s9], $0x600, $0x38;
	[tilespmem:$0x12100] =	vst v63  }
0x1f: {  	_ =	swait.ge [sflag:s15], $0x600  }
0x20: {  	s22 =	smul.u32 $0xAAAB, s9;
	[sflag:s15] =	ssyncset.done $0x0  }
0x21: {  	[sflag:s15] =	ssyncadd.s32 $0xFFFFFA00  }
0x22: {  	s20 =	simm.s32 $0xBB00;
	s10 =	sshrl.u32 s22, $0x15;
	s19 =	rddreg [dreg:$0x4]  }
0x23: {  	[tilespmem:s20], [sflag:$0x2] =	stream.linear.gather [hbm4b:s19+s9], $0x300, $0x38;
	[tilespmem:$0x12100] =	vst v63  }
0x24: {  	s4 =	smul.u32 $0x30, s10;
	_ =	swait.ge [sflag:s15], $0x300  }
0x25: {  	s6 =	simm.s32 $0xBE00;
	s3 =	sshrl.u32 s22, $0xE;
	[sflag:s15] =	ssyncset.done $0x0  }
0x26: {  	s3 =	sand.u32 $0x380, s3;
	s4 =	ssub.s32 $0x0, s4;
	[sflag:s15] =	ssyncadd.s32 $0xFFFFFD00  }
0x27: {  	s10 =	sand.u32 $0xFFF8, s4;
	s14 =	sshrl.u32 s22, $0x18;
	s7 =	rddreg [dreg:$0x5]  }
0x28: {  	[tilespmem:s6], [sflag:$0x2] =	stream.linear.gather [hbm4b:s7+s9], $0x300, $0x38;
	[tilespmem:$0x12100] =	vst v63  }
0x29: {  	s4 =	sshll.u32 s4, $0x4;
	s11 =	simm.s32 $0x1;
	s6 =	smul.u32 $0x6000, s14  }
0x2a: {  	s10 =	sshrl.u32 s10, $0x3;
	s4 =	sand.u32 $0x70, s4;
	s7 =	smul.u32 $0xAAAB, s11  }
0x2b: {  	s11 =	sshll.u32 s10, $0xA;
	_ =	swait.ge [sflag:s15], $0x300;
	s6 =	sshrl.u32 s6, $0x2  }
0x2c: {  	s10 =	sshll.u32 s10, $0x8;
	[sflag:s15] =	ssyncset.done $0x0;
	s6 =	sadd.s32 s11, s6  }
0x2d: {  	s10 =	sor.u32 s4, s10;
	[sflag:s15] =	ssyncadd.s32 $0xFFFFFD00;
	s3 =	sor.u32 s3, s6  }
0x2e: {  	s16 =	sshrl.u32 s7, $0x15;
	v3 =	vld [tilespmem:s10+$0xB500];
	s6 =	sor.u32 s4, s3  }
0x2f: {  	s17 =	smul.u32 $0x30, s16;
	v4 =	vld [tilespmem:s6+$0xD00]  }
0x30: {  	s19 =	sshrl.u32 s7, $0x18;
	s7 =	sshrl.u32 s7, $0xE  }
0x31: {  	s11 =	sand.u32 $0x380, s7;
	s3 =	ssub.s32 $0x1, s17  }
0x32: {  	s10 =	smul.u32 $0x6000, s19;
	s4 =	simm.s32 $0x2;
	s20 =	sand.u32 $0xFFF8, s3  }
0x33: {  	s16 =	smul.u32 $0xAAAB, s4;
	s3 =	sshll.u32 s3, $0x4;
	s14 =	sshrl.u32 s20, $0x3  }
0x34: {  	s22 =	sshrl.u32 s10, $0x2;
	s10 =	simm.s32 $0x3;
	s17 =	sshll.u32 s14, $0xA;
	v3 =	vadd.f32 v3, v4  }
0x35: {  	s3 =	sand.u32 $0x70, s3;
	s14 =	sshll.u32 s14, $0x8;
	s7 =	sadd.s32 s17, s22  }
.LBB2_2:
0x36: {  	p0 =	sne.s32 s10, $0x95F;
	s7 =	sor.u32 s11, s7;
	s11 =	sor.u32 s3, s14;
	[tilespmem:s6+$0xD00] =	vst v3  }
0x37: {  	s14 =	sshrl.u32 s16, $0x15;
	s6 =	sor.u32 s3, s7;
	v3 =	vld [tilespmem:s11+$0xB500];
	s3 =	smov.u32 s16  }
0x38: {  	s7 =	smul.u32 $0x30, s14;
	s11 =	smov.u32 s4;
	s4 =	smov.u32 s10;
	v4 =	vld [tilespmem:s6+$0xD00]  }
0x39: {  	s16 =	smul.u32 $0xAAAB, s10  }
.Ltmp0:
0x3a: {  	s7 =	ssub.s32 s11, s7;
	s11 =	sshrl.u32 s3, $0x18;
	(pc) =	sbr.rel @p0 .LBB2_2-.Ltmp0, $4  }
0x3b: {  	s3 =	sshrl.u32 s3, $0xE;
	s14 =	sand.u32 $0xFFF8, s7;
	s17 =	smul.u32 $0x6000, s11  }
0x3c: {  	s7 =	sshll.u32 s7, $0x4;
	s11 =	sand.u32 $0x380, s3;
	s14 =	sshrl.u32 s14, $0x3  }
0x3d: {  	s3 =	sand.u32 $0x70, s7;
	s7 =	sshrl.u32 s17, $0x2;
	s17 =	sshll.u32 s14, $0xA;
	v3 =	vadd.f32 v3, v4  }
0x3e: {  	s10 =	sadd.s32 $0x1, s10;
	s14 =	sshll.u32 s14, $0x8;
	s7 =	sadd.s32 s17, s7  }
0x3f: {  	s7 =	sor.u32 s11, s7;
	s10 =	sor.u32 s3, s14;
	[tilespmem:s6+$0xD00] =	vst v3  }
0x40: {  	s20 =	sshrl.u32 s16, $0x15;
	s22 =	sor.u32 s3, s7;
	v3 =	vld [tilespmem:s10+$0xB500]  }
0x41: {  	s6 =	smul.u32 $0x30, s20;
	v4 =	vld [tilespmem:s22+$0xD00];
	_ =	sdelay $0x1  }
0x42: {  	s11 =	sshrl.u32 s16, $0x18;
	s4 =	ssub.s32 s4, s6  }
0x43: {  	s16 =	sshrl.u32 s16, $0xE;
	s6 =	smul.u32 $0x6000, s11;
	s14 =	sand.u32 $0xFFF8, s4  }
0x44: {  	s10 =	sand.u32 $0x380, s16;
	s7 =	sshrl.u32 s14, $0x3  }
0x45: {  	s4 =	sshll.u32 s4, $0x4;
	s6 =	sshrl.u32 s6, $0x2;
	s17 =	sshll.u32 s7, $0xA;
	v3 =	vadd.f32 v3, v4  }
0x46: {  	s4 =	sand.u32 $0x70, s4;
	s7 =	sshll.u32 s7, $0x8;
	s6 =	sadd.s32 s17, s6  }
0x47: {  	s7 =	sor.u32 s4, s7;
	s6 =	sor.u32 s10, s6;
	[tilespmem:s22+$0xD00] =	vst v3  }
0x48: {  	s19 =	sor.u32 s4, s6;
	v3 =	vld [tilespmem:s7+$0xB500]  }
0x49: {  	v63 =	vld [tilespmem:s19+$0xD00];
	_ =	sdelay $0x1  }
0x4a: {  	p1 =	por $0x1, $0x1  }
.Ltmp1:
0x4b: {  	_ = 	snop;
	(pc) =	sbr.rel @!p1 .LBB2_4-.Ltmp1, $4  }
0x4c: {  	_ = 	snop  }
0x4d: {  	s4 =	simm.s32 $0x0;
	v3 =	vadd.f32 v3, v63  }
0x4e: {  	p0 =	por $0x0, $0x0;
	s20 =	sand.u32 $0x70, s4;
	s22 =	sand.u32 $0x700, s4  }
0x4f: {  	[dreg:$0xb] =	wrdreg s18;
	s7 =	simm.s32 $0x10;
	s6 =	sor.u32 s20, s22;
	[tilespmem:s19+$0xD00] =	vst v3  }
0x50: {  	v3 =	vld [tilespmem:s6+$0xB500]  }
0x51: {  	v4 =	vld [tilespmem:s6+$0xB580]  }
0x52: {  	p1 =	por $0x1, $0x1  }
.Ltmp2:
0x53: {  	_ = 	snop;
	(pc) =	sbr.rel @!p1 .LBB2_7-.Ltmp2, $4  }
0x54: {  	_ = 	snop  }
0x55: {  	s3 =	simm.s32 $0x20  }
0x56: {  	s7 =	sand.u32 $0x70, s7;
	s10 =	sand.u32 $0x700, s3;
	v3 =	vsub.f32 v4, v3  }
0x57: {  	p0 =	por $0x1, $0x1;
	s11 =	sor.u32 s7, s10;
	s10 =	simm.s32 $0x20  }
.LBB2_6:
0x58: {  	p1 =	sne.s32 s10, $0x2F0;
	v4 =	vld [tilespmem:s11+$0xB500];
	[tilespmem:s6+$0xB580] =	vst v3;
	s6 =	smov.u32 s11  }
0x59: {  	v3 =	vld [tilespmem:s6+$0xB580];
	_ =	sdelay $0x1  }
.Ltmp3:
0x5a: {  	(pc) =	sbr.rel @p1 .LBB2_6-.Ltmp3, $4  }
0x5b: {  	_ = 	snop  }
0x5c: {  	s3 =	sadd.s32 $0x20, s3  }
0x5d: {  	s7 =	sand.u32 $0x70, s10;
	s11 =	sand.u32 $0x700, s3;
	v3 =	vsub.f32 v3, v4  }
0x5e: {  	s10 =	sadd.s32 $0x10, s10;
	s11 =	sor.u32 s7, s11  }
.LBB2_7:
0x5f: {  	v4 =	vld [tilespmem:s11+$0xB500];
	[tilespmem:s6+$0xB580] =	vst @p0 v3  }
0x60: {  	v3 =	vld [tilespmem:s11+$0xB580];
	_ =	sdelay $0x4  }
0x61: {  	v3 =	vsub.f32 v3, v4;
	_ =	sdelay $0x1  }
0x62: {  	[tilespmem:s11+$0xB580] =	vst v3  }
.LBB2_8:
0x63: {  	s6 =	sshll.u32 s4, $0x5  }
0x64: {  	v3 =	vld [tilespmem:s6+$0x0];
	_ =	sdelay $0x4  }
0x65: {  	v4 =	vshrl.u32 v3, $0x3  }
0x66: {  	v4 =	vmul.u32 $0x30, v4  }
0x67: {  	v3 =	vand.u32 $0x7, v3  }
0x68: {  	v3 =	vor.u32 v3, v4  }
0x69: {  	v4 =	vperm.xlane v3, v0;
	_ =	sdelay $0x1  }
0x6a: {  	v4 =	vadd.s32 v1, v4;
	_ =	sdelay $0x3  }
0x6b: {  	s16 =	simm.s32 $0x0;
	v3 =	vperm.xlane v3, v2  }
0x6c: {  	[tilespmem:s21], [sflag:$0x1] =	stream.indirect_vreg.gather [hbm4b:s1+s16], $0x80, v4, vm0, $0xb8;
	[tilespmem:$0x12100] =	vst v63  }
0x6d: {  	s3 =	simm.s32 $0xC900;
	v3 =	vadd.s32 v1, v3  }
0x6e: {  	[tilespmem:s3], [sflag:$0x1] =	stream.indirect_vreg.gather [hbm4b:s12+s16], $0x80, v4, vm0, $0xb8;
	[tilespmem:$0x12100] =	vst v63  }
0x6f: {  	_ = 	snop  }
0x70: {  	[tilespmem:s23], [sflag:$0x1] =	stream.indirect_vreg.gather [hbm4b:s13+s16], $0x80, v4, vm0, $0xb8;
	[tilespmem:$0x12100] =	vst v63  }
0x71: {  	_ = 	snop  }
0x72: {  	[tilespmem:s24], [sflag:$0x1] =	stream.indirect_vreg.gather [hbm4b:s1+s16], $0x80, v3, vm0, $0xb8;
	[tilespmem:$0x12100] =	vst v63  }
0x73: {  	_ = 	snop  }
0x74: {  	[tilespmem:s25], [sflag:$0x1] =	stream.indirect_vreg.gather [hbm4b:s12+s16], $0x80, v3, vm0, $0xb8;
	[tilespmem:$0x12100] =	vst v63  }
0x75: {  	_ = 	snop  }
0x76: {  	[tilespmem:s26], [sflag:$0x1] =	stream.indirect_vreg.gather [hbm4b:s13+s16], $0x80, v3, vm0, $0xb8;
	[tilespmem:$0x12100] =	vst v63  }
0x77: {  	v3 =	vld [tilespmem:s6+$0x10];
	_ =	sdelay $0x4  }
0x78: {  	v63 =	vshrl.u32 v3, $0x3  }
0x79: {  	v4 =	vmul.u32 $0x30, v63  }
0x7a: {  	v3 =	vand.u32 $0x7, v3  }
0x7b: {  	v3 =	vor.u32 v3, v4  }
0x7c: {  	v4 =	vperm.xlane v3, v0;
	_ =	sdelay $0x1  }
0x7d: {  	v4 =	vadd.s32 v1, v4;
	_ =	sdelay $0x3  }
0x7e: {  	v3 =	vperm.xlane v3, v2  }
0x7f: {  	[tilespmem:s28], [sflag:$0x1] =	stream.indirect_vreg.gather [hbm4b:s1+s16], $0x80, v4, vm0, $0xb8;
	[tilespmem:$0x12100] =	vst v63  }
0x80: {  	v3 =	vadd.s32 v1, v3  }
0x81: {  	[tilespmem:s29], [sflag:$0x1] =	stream.indirect_vreg.gather [hbm4b:s12+s16], $0x80, v4, vm0, $0xb8;
	[tilespmem:$0x12100] =	vst v63  }
0x82: {  	_ = 	snop  }
0x83: {  	[tilespmem:s30], [sflag:$0x1] =	stream.indirect_vreg.gather [hbm4b:s13+s16], $0x80, v4, vm0, $0xb8;
	[tilespmem:$0x12100] =	vst v63  }
0x84: {  	_ = 	snop  }
0x85: {  	[tilespmem:s31], [sflag:$0x1] =	stream.indirect_vreg.gather [hbm4b:s1+s16], $0x80, v3, vm0, $0xb8;
	[tilespmem:$0x12100] =	vst v63  }
0x86: {  	_ = 	snop  }
0x87: {  	[tilespmem:s5], [sflag:$0x1] =	stream.indirect_vreg.gather [hbm4b:s12+s16], $0x80, v3, vm0, $0xb8;
	[tilespmem:$0x12100] =	vst v63  }
0x88: {  	_ = 	snop  }
0x89: {  	[tilespmem:s0], [sflag:$0x1] =	stream.indirect_vreg.gather [hbm4b:s13+s16], $0x80, v3, vm0, $0xb8;
	[tilespmem:$0x12100] =	vst v63  }
0x8a: {  	_ =	swait.ge [sflag:s2], $0x6000  }
0x8b: {  	[sflag:s2] =	ssyncset.done $0x0  }
0x8c: {  	s17 =	simm.s32 $0x0;
	[sflag:s2] =	ssyncadd.s32 $0xFFFFA000  }
.LBB2_9:
0x8d: {  	s3 =	sor.u32 s6, s17  }
0x8e: {  	s7 =	smulhi.u32 $0x51EB851F, s3;
	_ =	sdelay $0x1  }
0x8f: {  	s10 =	sand.u32 $0xF, s17;
	s7 =	sshrl.u32 s7, $0x4  }
0x90: {  	p0 =	seq.s32 s3, $0x0;
	p1 =	sne.s32 s10, $0x0;
	s7 =	smul.u32 $0x32, s7  }
0x91: {  	s11 =	simm.s32 $0x1;
	s14 =	sshrl.u32 s17, $0x3;
	p0 =	por !p0, !p1  }
0x92: {  	s14 =	smul.u32 $0x6000, s14;
	p0 =	por !p0, !p0;
	s7 =	ssub.s32 s3, s7  }
0x93: {  	s11 =	simm.s32 @!p0 $0x0;
	s3 =	sshrl.u32 s3, $0x4;
	s19 =	sshrl.u32 s7, $0x3  }
0x94: {  	s18 =	sshll.u32 s17, $0x7;
	s3 =	ssub.s32 s3, s11;
	s11 =	smul.u32 $0x6000, s19  }
0x95: {  	s18 =	sand.u32 $0x380, s18;
	s7 =	sshll.u32 s7, $0x7  }
0x96: {  	s14 =	sshra.s32 s14, $0x2;
	s7 =	sand.u32 $0x380, s7;
	s11 =	sshrl.u32 s11, $0x2  }
0x97: {  	s20 =	sor.u32 s18, s14;
	s3 =	sshll.u32 s3, $0x6;
	s7 =	sor.u32 s7, s11  }
0x98: {  	s3 =	sshra.s32 s3, $0x2;
	s19 =	sadd.s32 $0xD00, s7;
	s7 =	sand.u32 $0x1C00, s16  }
0x99: {  	s22 =	sand.u32 $0x70, s16;
	s18 =	sadd.s32 $0xC100, s20;
	v3 =	vld [tilespmem:s3+$0x680];
	s14 =	sadd.s32 s7, s19  }
0x9a: {  	s20 =	sadd.s32 s7, s18;
	s11 =	sadd.s32 s22, s14  }
0x9b: {  	s7 =	sshrl.u32 s7, $0x2;
	s20 =	sadd.s32 s22, s20;
	v4 =	vld [tilespmem:s11+$0x0]  }
0x9c: {  	s3 =	sor.u32 s22, s7;
	v5 =	vld [tilespmem:s20+$0x0]  }
0x9d: {  	v6 =	vmov s10;
	v7 =	vld [tilespmem:s3+$0xB580]  }
0x9e: {  	v3 =	vperm.xlane v3, v6;
	_ =	sdelay $0x1  }
0x9f: {  	v3 =	vcvt.s32.f32 v3;
	_ =	sdelay $0x1  }
0xa0: {  	v5 =	vadd.f32 v4, v5;
	v6 =	vmul.f32 v3, v7  }
0xa1: {  	s22 =	simm.s32 $0x80  }
0xa2: {  	s10 =	simm.s32 $0x100;
	s3 =	sand.u32 $0x1C00, s22;
	s11 =	simm.s32 $0x10;
	v4 =	vimm.f32 $0.0e+00;
	v6 =	vadd.f32 v6, v5;
	v5 =	vimm.f32 $0.0e+00  }
.LBB2_10:
0xa3: {  	p0 =	sne.s32 s10, $0x1780;
	s7 =	sand.u32 $0x70, s11;
	s14 =	sadd.s32 s3, s19  }
0xa4: {  	s22 =	sadd.s32 s3, s18;
	s14 =	sadd.s32 s7, s14;
	[tilespmem:s20+$0x0] =	vst v6;
	v4 =	vadd.f32 v6, v4;
	v6 =	vmul.f32 v6, v6  }
0xa5: {  	s3 =	sshrl.u32 s3, $0x2;
	s20 =	sadd.s32 s7, s22;
	v7 =	vld [tilespmem:s14+$0x0]  }
0xa6: {  	s3 =	sor.u32 s7, s3;
	v8 =	vld [tilespmem:s20+$0x0];
	v5 =	vadd.f32 v6, v5  }
0xa7: {  	v6 =	vld [tilespmem:s3+$0xB580];
	_ =	sdelay $0x2  }
.Ltmp4:
0xa8: {  	(pc) =	sbr.rel @p0 .LBB2_10-.Ltmp4, $3  }
0xa9: {  	_ = 	snop  }
0xaa: {  	v7 =	vadd.f32 v7, v8;
	v6 =	vmul.f32 v3, v6;
	_ =	sdelay $0x1  }
0xab: {  	s11 =	sadd.s32 $0x10, s11;
	s3 =	sand.u32 $0x1C00, s10;
	s10 =	sadd.s32 $0x80, s10;
	v6 =	vadd.f32 v6, v7  }
0xac: {  	s7 =	sand.u32 $0x70, s11;
	s10 =	sadd.s32 s3, s19  }
0xad: {  	s19 =	sadd.s32 s3, s18;
	s10 =	sadd.s32 s7, s10;
	[tilespmem:s20+$0x0] =	vst v6  }
0xae: {  	s22 =	sshrl.u32 s3, $0x2;
	s11 =	sadd.s32 s7, s19;
	v7 =	vld [tilespmem:s10+$0x0]  }
0xaf: {  	s3 =	sor.u32 s7, s22;
	v8 =	vld [tilespmem:s11+$0x0]  }
0xb0: {  	v9 =	vld [tilespmem:s3+$0xB580];
	_ =	sdelay $0x4  }
0xb1: {  	v7 =	vadd.f32 v7, v8;
	v3 =	vmul.f32 v3, v9;
	_ =	sdelay $0x1  }
0xb2: {  	v63 =	vmul.f32 v6, v6;
	v3 =	vadd.f32 v3, v7  }
0xb3: {  	v4 =	vadd.f32 v6, v4  }
0xb4: {  	v5 =	vadd.f32 v63, v5;
	v6 =	vmul.f32 v3, v3  }
0xb5: {  	v4 =	vadd.f32 v3, v4  }
0xb6: {  	v5 =	vadd.f32 v6, v5  }
0xb7: {  	(xrf2) =	vadd.scan.msk.f32 $0xffff, v4  }
0xb8: {  	(xrf2) =	vadd.scan.msk.f32 $0xffff, v5;
	_ =	sdelay $0x8  }
0xb9: {  	v4, _, _ =	vpop (xrf2)  }
0xba: {  	(v2sf) =	vpush v4, $0xF;
	v4, _, _ =	vpop (xrf2)  }
0xbb: {  	(v2sf) =	vpush v4, $0xF;
	_ =	sdelay $0xd  }
0xbc: {  	s7 =	spop (v2sf)  }
0xbd: {  	s3 =	smul.f32 $1.302083370e-03, s7;
	s10 =	spop (v2sf)  }
0xbe: {  	s7 =	smul.f32 $1.302083370e-03, s10  }
0xbf: {  	s14 =	smul.f32 s3, s3;
	_ =	sdelay $0x1  }
0xc0: {  	s7 =	ssub.f32 s7, s14;
	_ =	sdelay $0x1  }
0xc1: {  	s7 =	sadd.f32 $9.999999740e-06, s7;
	_ =	sdelay $0x1  }
0xc2: {  	v4 =	vmov s7  }
0xc3: {  	v5 =	vshra.s32 v4, $0x1;
	v4 =	vmul.f32 $5.000000000e-01, v4  }
0xc4: {  	v5 =	vsub.s32 $0x5F3759DF, v5  }
0xc5: {  	v6 =	vmul.f32 v5, v4;
	_ =	sdelay $0x1  }
0xc6: {  	v6 =	vmul.f32 v5, v6;
	_ =	sdelay $0x1  }
0xc7: {  	v6 =	vsub.f32 $1.500000000e+00, v6;
	_ =	sdelay $0x1  }
0xc8: {  	v5 =	vmul.f32 v5, v6;
	_ =	sdelay $0x1  }
0xc9: {  	v6 =	vmul.f32 v5, v4;
	_ =	sdelay $0x1  }
0xca: {  	v6 =	vmul.f32 v6, v5;
	_ =	sdelay $0x1  }
0xcb: {  	v6 =	vsub.f32 $1.500000000e+00, v6;
	_ =	sdelay $0x1  }
0xcc: {  	v5 =	vmul.f32 v6, v5;
	_ =	sdelay $0x1  }
0xcd: {  	v6 =	vmul.f32 v5, v4;
	_ =	sdelay $0x1  }
0xce: {  	v6 =	vmul.f32 v6, v5;
	_ =	sdelay $0x1  }
0xcf: {  	v6 =	vsub.f32 $1.500000000e+00, v6;
	_ =	sdelay $0x1  }
0xd0: {  	s19 =	simm.s32 $0x0;
	v5 =	vmul.f32 v6, v5  }
0xd1: {  	s20 =	sand.u32 $0x7000, s19  }
0xd2: {  	s10 =	sshrl.u32 s20, $0x2;
	v4 =	vmul.f32 v5, v4  }
0xd3: {  	[tilespmem:s11+$0x0] =	vst v3;
	s10 =	sadd.s32 s10, s18;
	s7 =	sand.u32 $0x70, s19;
	s19 =	simm.s32 $0xBB00  }
0xd4: {  	s20 =	sadd.s32 s7, s10;
	v7 =	vld [tilespmem:s19+$0x0];
	v3 =	vmul.f32 v4, v5  }
0xd5: {  	v6 =	vld [tilespmem:s20+$0x0]  }
0xd6: {  	v3 =	vsub.f32 $1.500000000e+00, v3;
	_ =	sdelay $0x1  }
0xd7: {  	s10 =	simm.s32 $0xBE00;
	v3 =	vmul.f32 v3, v5  }
0xd8: {  	v4 =	vmov s3;
	v5 =	vld [tilespmem:s10+$0x0]  }
0xd9: {  	v6 =	vsub.f32 v6, v4;
	v7 =	vmul.f32 v7, v3;
	_ =	sdelay $0x1  }
0xda: {  	s11 =	simm.s32 $0x200;
	v6 =	vmul.f32 v7, v6  }
0xdb: {  	s22 =	sand.u32 $0x7000, s11  }
0xdc: {  	s14 =	simm.s32 $0x20;
	s7 =	sshrl.u32 s22, $0x2;
	s3 =	simm.s32 $0x10;
	v5 =	vadd.f32 v6, v5  }
.LBB2_12:
0xdd: {  	p0 =	sne.s32 s14, $0x2F0;
	s3 =	sand.u32 $0x70, s3;
	s7 =	sadd.s32 s7, s18  }
0xde: {  	[tilespmem:s20+$0x0] =	vst v5;
	s20 =	sadd.s32 s3, s7;
	s3 =	smov.u32 s14  }
0xdf: {  	s19 =	sadd.s32 $0x10, s19;
	v5 =	vld [tilespmem:s20+$0x0]  }
0xe0: {  	v6 =	vld [tilespmem:s19+$0x0];
	_ =	sdelay $0x2  }
0xe1: {  	s10 =	sadd.s32 $0x10, s10  }
0xe2: {  	v7 =	vld [tilespmem:s10+$0x0]  }
.Ltmp5:
0xe3: {  	v5 =	vsub.f32 v5, v4;
	v6 =	vmul.f32 v6, v3;
	(pc) =	sbr.rel @p0 .LBB2_12-.Ltmp5, $4  }
0xe4: {  	_ = 	snop  }
0xe5: {  	s11 =	sadd.s32 $0x200, s11;
	v5 =	vmul.f32 v6, v5  }
0xe6: {  	s7 =	sand.u32 $0x7000, s11  }
0xe7: {  	s14 =	sadd.s32 $0x10, s14;
	s7 =	sshrl.u32 s7, $0x2;
	v5 =	vadd.f32 v5, v7  }
0xe8: {  	s3 =	sand.u32 $0x70, s3;
	s7 =	sadd.s32 s7, s18  }
0xe9: {  	s3 =	sadd.s32 s3, s7;
	[tilespmem:s20+$0x0] =	vst v5  }
0xea: {  	s20 =	sadd.s32 $0x10, s19;
	v5 =	vld [tilespmem:s3+$0x0]  }
0xeb: {  	v6 =	vld [tilespmem:s20+$0x0];
	_ =	sdelay $0x2  }
0xec: {  	s22 =	sadd.s32 $0x10, s10  }
0xed: {  	v7 =	vld [tilespmem:s22+$0x0]  }
0xee: {  	s17 =	sadd.s32 $0x1, s17;
	v4 =	vsub.f32 v5, v4;
	v3 =	vmul.f32 v6, v3  }
0xef: {  	p0 =	sne.s32 s17, $0x20  }
.Ltmp6:
0xf0: {  	v3 =	vmul.f32 v3, v4;
	(pc) =	sbr.rel @p0 .LBB2_9-.Ltmp6, $3  }
0xf1: {  	_ = 	snop  }
0xf2: {  	v3 =	vadd.f32 v3, v7;
	_ =	sdelay $0x1  }
0xf3: {  	[tilespmem:s3+$0x0] =	vst v3  }
0xf4: {  	s3 =	sadd.s32 s8, s6  }
0xf5: {  	s3 =	sshrl.u32 s3, $0x3  }
0xf6: {  	s4 =	sadd.s32 $0x1, s4;
	s3 =	smul.u32 $0x300, s3  }
0xf7: {  	s22 =	rddreg [dreg:$0x6];
	p0 =	sne.s32 s4, $0x32  }
.Ltmp7:
0xf8: {  	s3 =	sadd.s32 s22, s3;
	(pc) =	sbr.rel @p0 .LBB2_8-.Ltmp7, $4  }
0xf9: {  	[hbm4b:s3+s9] =	stream.linear.scatter [tilespmem:s21], [sflag:$0x2], $0x6000, $0x38;
	[tilespmem:$0x12100] =	vst v63  }
0xfa: {  	_ =	swait.ge [sflag:s15], $0x6000  }
0xfb: {  	[sflag:s15] =	ssyncset.done $0x0  }
0xfc: {  	[sflag:s15] =	ssyncadd.s32 $0xFFFFA000  }
0xfd: {  	s18 =	rddreg [dreg:$0xb]  }
0xfe: {  	s3 =	rddreg [dreg:$0xa];
	s18 =	sadd.s32 $0x1, s18  }
0xff: {  	p0 =	sne.s32 s18, s3  }
.Ltmp8:
0x100: {  	_ = 	snop;
	(pc) =	sbr.rel @p0 .LBB2_1-.Ltmp8, $4  }
.Ltmp9:
0x101: {  	_ = 	snop;
	(pc) =	sbr.rel @!p0 .LBB2_16-.Ltmp9, $4  }
0x102: {  	_ = 	snop  }
0x103: {  	_ = 	snop  }
0x104: {  	_ = 	snop  }
0x105: {  	_ = 	snop  }
.LBB2_4:
.Ltmp10:
0x106: {  	(pc) =	sbr.rel .LBB2_7-.Ltmp10, $2  }
0x107: {  	_ =	sdelay $0x2  }
0x108: {  	s11 =	smov.u32 s6  }
.LBB2_16:
0x109: {  	_ =	sfence.sel $0x180000  }
0x10a: {  	[bflag:$0x0] =	sbarrier.arrive $0xFFFF  }
0x10b: {  	_ =	strace $0x90000047  }
0x10c: {  	s0 =	stileid.u32;
	[bflag:$0x2] =	sbarrier.arrive $0xFFFF  }
0x10d: {  	p0 =	sne.s32 s0, $0x0;
	s0 =	rddreg [dreg:$0x7]  }
0x10e: {  	s0 =	sadd.s32 @!p0 $0x100000, s0  }
0x10f: {  	[sflag:s0] =	ssyncadd.tile.s32 @!p0 $0x1;
	_ =	shalt  }
.Lfunc_end2:
_tile_overlayer_lowered:
.L_overlay_start_2:
0x110: {  	(tag) =	ssettag $0x2  }
0x111: {  	s0 =	rddreg [dreg:$0x0];
	s2 =	stileid.u32  }
0x112: {  	s1 =	rddreg [dreg:$0x1];
	p0 =	sne.s32 s2, $0x0  }
0x113: {  	s3 =	rddreg [dreg:$0x2];
	[bflag:$0x3] =	sbarrier.arrive $0xFFFF;
	s2 =	simm.s32 @!p0 $0x1C02  }
0x114: {  	[timem:s3], [sflag:s2] =	dma.local @!p0 [hbm:s0], s1  }
0x115: {  	s0 =	simm.s32 @!p0 $0x2  }
0x116: {  	_ =	swait.ge @!p0 [sflag:s0], s1  }
0x117: {  	s1 =	ssub.s32 @!p0 $0x0, s1;
	[sflag:s0] =	ssyncset.done @!p0 $0x0  }
0x118: {  	[sflag:s0] =	ssyncadd.s32 @!p0 s1  }
0x119: {  	[bflag:$0x3] =	sbarrier.arrive $0xFFFF  }
0x11a: {  	_ =	shalt  }

// kernel: sparse-core-data-format-call.cloned.1.call-start
scs
called_computation_lowered:
.L_overlay_start_0:
0x0: {  	s2 =	sld [smem:$0x3FD9]  }
0x1: {  	s3 =	sld [smem:$0x3FFE];
	_ =	sdelay $0x1  }
0x2: {  	s1 =	srdreg.scid  }
0x3: {  	s0 =	sand.u32 $0x1, s1  }
0x4: {  	s18 =	sshll.u32 s0, $0xA;
	s2 =	sadd.s32 s3, s2  }
0x5: {  	s2 =	sadd.s32 s2, s18  }
0x6: {  	[smem:$0x3FC1] =	sst s2  }
0x7: {  	_ = 	snop  }
0x8: {  	s2 =	sld [smem:$0x3FD0];
	(tm) =	ssettm $0x1  }
0x9: {  	s19 =	sld [smem:$0x3FFB];
	_ =	sdelay $0x3  }
0xa: {  	_ =	strace s19  }
0xb: {  	s3 =	sld [smem:$0x3FFC];
	_ =	sdelay $0x3  }
0xc: {  	_ =	strace s3  }
0xd: {  	s3 =	sld [smem:$0x3FFD];
	_ =	sdelay $0x3  }
0xe: {  	_ =	strace s3  }
0xf: {  	_ =	strace $0x8FFFFFFF  }
0x10: {  	s20 =	sld [smem:$0x3FDB];
	_ =	sdelay $0x1  }
0x11: {  	s4 =	simm.s32 $_scs_section_size  }
0x12: {  	s5 =	simm.s32 $_size__tile_overlayer_lowered;
	s6 =	simm.s32 $_tile_overlayer_lowered  }
0x13: {  	s23 =	simm.s32 $0x1BFF;
	s22 =	sshll.u32 s6, $0x1;
	s3 =	sadd.s32 s4, s20  }
0x14: {  	s7 =	simm.s32 $0x0;
	s21 =	sshll.u32 s5, $0x1;
	s5 =	sadd.s32 s22, s3  }
0x15: {  	[timem:s7], [sflag:s23] =	dma.local [hbm:s5], s21  }
0x16: {  	_ =	swait.ge [sflag:s23], s21  }
0x17: {  	s4 =	ssub.s32 $0x0, s21;
	[sflag:s23] =	ssyncset.done $0x0  }
0x18: {  	[sflag:s23] =	ssyncadd.s32 s4;
	_ =	sdelay $0x1  }
0x19: {  	s24 =	simm.s32 $0x1B8B  }
0x1a: {  	_ =	swait.ge [sflag:s24], $0x1  }
0x1b: {  	[sflag:s24] =	ssyncset.done $0x0  }
0x1c: {  	s26 =	simm.s32 $0x1B8E;
	s25 =	sld [smem:$0x3FFE];
	[sflag:s24] =	ssyncadd.s32 $0xFFFFFFFF  }
0x1d: {  	s27 =	simm.s32 $execute0_lowered;
	[smem:$0x3FD2] =	sst s26  }
0x1e: {  	s5 =	sshll.u32 s27, $0x1;
	_ =	strace $0x80000049;
	[dreg:$0x1] =	wrdreg $0xFFFFFFFF  }
0x1f: {  	s28 =	simm.s32 $_size_execute0_lowered;
	s3 =	sadd.s32 s3, s5;
	[dreg:$0x0] =	wrdreg $0x0  }
0x20: {  	s5 =	sshll.u32 s28, $0x1;
	[dreg:$0x2] =	wrdreg s3  }
0x21: {  	[dreg:$0x3] =	wrdreg s5  }
0x22: {  	[dreg:$0x4] =	wrdreg $0xC0  }
0x23: {  	_ =	task [dreg:s7], $0x5FFFF  }
0x24: {  	[dreg:$0x1] =	wrdreg $0xFFFFFFFF  }
0x25: {  	[dreg:$0x0] =	wrdreg $0x60  }
0x26: {  	[dreg:$0x2] =	wrdreg s25  }
0x27: {  	[dreg:$0x3] =	wrdreg s2  }
0x28: {  	[dreg:$0x4] =	wrdreg $0x9  }
0x29: {  	_ =	task.clear_ibuf [dreg:s7], $0x5FFFF;
	_ =	strace $0x90000049  }
0x2a: {  	s29 =	simm.s32 $0x9;
	_ =	strace $0x8000004B  }
0x2b: {  	_ =	swait.ge [sflag:s29], $0x1  }
0x2c: {  	[sflag:s29] =	ssyncadd.s32 $0xFFFFFFFF  }
0x2d: {  	_ =	strace $0x9000004B  }
0x2e: {  	_ =	sfence  }
0x2f: {  	s30 =	sld [smem:$0x0];
	_ =	sdelay $0x2  }
0x30: {  	s31 =	sshll.u32 s1, $0xD;
	s1 =	sshrl.u32 s1, $0x2  }
0x31: {  	s3 =	sand.u32 $0x4000, s31;
	s1 =	sadd.s32 s1, s30  }
0x32: {  	s0 =	sor.u32 s3, s0;
	s1 =	sshll.u32 s1, $0x11  }
0x33: {  	s0 =	sor.u32 s1, s0  }
0x34: {  	s0 =	sadd.s32 $0x8F2B, s0  }
0x35: {  	[sflag:s0] =	ssyncadd.remote.s32 $0x1  }
0x36: {  	_ =	sfence.sel $0xFFFF  }
0x37: {  	[dreg:$0x0] =	wrdreg $0xFFFFFFFF;
	(pc) =	sbr.abs _section_cstart, $3  }
0x38: {  	[dreg:$0x1] =	wrdreg $0xFFFFFFFF  }
0x39: {  	_ =	task.clear_ibuf [dreg:s7], $0x2FFFF;
	_ =	strace $0x9FFFFFFF  }
0x3a: {  	(tm) =	ssettm $0x7FFFFFFF  }
0x3b: {  	_ =	shalt  }
tec
execute0_lowered:
.L_overlay_start_1:
0x0: {  	(tag) =	ssettag $0x1  }
0x1: {  	s0 =	stileid.u32  }
0x2: {  	s1 =	srdreg.scid;
	s2 =	sshll.u32 s0, $0x7  }
0x3: {  	s7 =	rddreg [dreg:$0x0];
	s3 =	sshll.u32 s1, $0x4;
	s1 =	sand.u32 $0x380, s2  }
0x4: {  	s8 =	simm.s32 $0x2;
	s30 =	sand.u32 $0x10, s3;
	s31 =	ssub.s32 $0x400, s1  }
0x5: {  	s16 =	simm.s32 $0x0;
	s2 =	sor.u32 s0, s30;
	s4 =	sand.u32 $0x380, s31  }
0x6: {  	s2 =	sshrl.u32 s2, $0x3;
	p0 =	sne.s32 s4, $0x0;
	s4 =	simm.s32 $0x1  }
0x7: {  	s3 =	sshrl.u32 s31, $0xA;
	s5 =	ssub.s32 $0x35, s2;
	s4 =	simm.s32 @!p0 $0x0  }
0x8: {  	s9 =	simm.s32 $0x1800;
	s5 =	sshrl.u32 s5, $0x2;
	s3 =	sadd.s32 s4, s3  }
0x9: {  	s10 =	simm.s32 $0x0;
	s15 =	simm.s32 $0x0;
	s6 =	smul.u32 s3, s5  }
.Ltmp0:
0xa: {  	s17 =	simm.s32 $0x0;
	s4 =	rddreg [dreg:$0x1];
	(pc) =	sbr.rel .LBB1_1-.Ltmp0, $4  }
0xb: {  	s11 =	simm.s32 $0x0;
	s14 =	simm.s32 $0x0;
	s3 =	rddreg [dreg:$0x2]  }
0xc: {  	_ =	strace $0x8000004A;
	s5 =	simm.s32 $0x1;
	s6 =	smul.u32 $0x6, s6  }
0xd: {  	s7 =	sadd.s32 $0x800, s7;
	s13 =	smov.u32 s1;
	[sflag:s5] =	ssyncpa.u1 $0x0  }
0xe: {  	s12 =	smov.u32 s2;
	[sflag:s8] =	ssyncpa.u1 $0x0;
	s8 =	sor.u32 $0x1, s6  }
.LBB1_4:
0xf: {  	_ =	sdelay $0x2  }
0x10: {  	s21 =	sshrl.u32 s17, $0x3  }
0x11: {  	[tilespmem:v0+s20+$0xFFFFFFD0 ss:$0x1] =	vst.idx.msk $0xffff, v7;
	s22 =	sshll.u32 s16, $0x3;
	s21 =	smul.u32 $0x1800, s21  }
0x12: {  	v56 =	vld.idx.msk [tilespmem:v1+s19+$0x0 ss:$0x1], $0xffff;
	[tilespmem:v0+s20+$0xFFFFFFE0 ss:$0x1] =	vst.idx.msk $0xffff, v5;
	s27 =	sshll.u32 s17, $0x7;
	s22 =	sand.u32 $0xFFFFFC00, s22  }
0x13: {  	v57 =	vld.idx.msk [tilespmem:v1+s19+$0xFFFFFF90 ss:$0x1], $0xffff;
	[tilespmem:v0+s20+$0xFFFFFFF0 ss:$0x1] =	vst.idx.msk $0xffff, v4;
	s17 =	sand.u32 $0x380, s27;
	s21 =	sadd.s32 s21, s22  }
0x14: {  	v58 =	vld.idx.msk [tilespmem:v1+s19+$0xFFFFFFA0 ss:$0x1], $0xffff;
	[tilespmem:v0+s20+$0x0 ss:$0x1] =	vst.idx.msk $0xffff, v2;
	s28 =	sand.u32 $0x7F, s16;
	s17 =	sor.u32 s17, s21  }
0x15: {  	v59 =	vld.idx.msk [tilespmem:v1+s19+$0xFFFFFFB0 ss:$0x1], $0xffff;
	[tilespmem:v0+s20+$0x10 ss:$0x1] =	vst.idx.msk $0xffff, v3;
	s16 =	sor.u32 s28, s17  }
0x16: {  	v60 =	vld.idx.msk [tilespmem:v1+s19+$0xFFFFFFC0 ss:$0x1], $0xffff;
	[tilespmem:v0+s20+$0x20 ss:$0x1] =	vst.idx.msk $0xffff, v6;
	s29 =	smulhi.u32 $0xAAAAAAAB, s16  }
0x17: {  	v61 =	vld.idx.msk [tilespmem:v1+s19+$0xFFFFFFD0 ss:$0x1], $0xffff;
	[tilespmem:v0+s19+$0x30 ss:$0x1] =	vst.idx.msk $0xffff, v56;
	s17 =	smulhi.u32 $0xAAAAAAAB, s17  }
0x18: {  	v62 =	vld.idx.msk [tilespmem:v1+s19+$0xFFFFFFE0 ss:$0x1], $0xffff;
	[tilespmem:v0+s19+$0xFFFFFFC0 ss:$0x1] =	vst.idx.msk $0xffff, v57;
	s20 =	sshrl.u32 s29, $0x9  }
0x19: {  	v63 =	vld.idx.msk [tilespmem:v1+s19+$0xFFFFFFF0 ss:$0x1], $0xffff;
	[tilespmem:v0+s19+$0xFFFFFFD0 ss:$0x1] =	vst.idx.msk $0xffff, v58;
	s17 =	sshrl.u32 s17, $0x9;
	s20 =	smul.u32 $0x300, s20  }
0x1a: {  	s15 =	smul.u32 $0x18000, s15;
	[tilespmem:v0+s19+$0xFFFFFFE0 ss:$0x1] =	vst.idx.msk $0xffff, v59;
	s17 =	sand.u32 $0x3FF, s17  }
0x1b: {  	[tilespmem:v0+s19+$0xFFFFFFF0 ss:$0x1] =	vst.idx.msk $0xffff, v60;
	s17 =	smul.u32 $0x60, s17;
	s16 =	ssub.s32 s16, s20  }
0x1c: {  	s15 =	sadd.s32 s4, s15;
	[tilespmem:v0+s19+$0x0 ss:$0x1] =	vst.idx.msk $0xffff, v61;
	s20 =	sand.u32 $0x7, s16  }
0x1d: {  	[tilespmem:v0+s19+$0x10 ss:$0x1] =	vst.idx.msk $0xffff, v62;
	s15 =	sadd.s32 s17, s15;
	s16 =	sshrl.u32 s16, $0x3;
	s30 =	sshll.u32 s20, $0x12  }
0x1e: {  	[tilespmem:v0+s19+$0x20 ss:$0x1] =	vst.idx.msk $0xffff, v63;
	s15 =	sadd.s32 s16, s15;
	s31 =	sor.u32 $0x400, s30  }
0x1f: {  	[hbm4b:s15+s31] =	stream.strided.scatter [tilespmem:s18], [sflag:$0x2], $0x4000, s9, s31, $0x38;
	[tilespmem:$0x10000] =	vst v63  }
.LBB1_5:
0x20: {  	s18 =	sadd.s32 $0x80, s11  }
0x21: {  	s15 =	sadd.s32 $0x4, s12;
	s19 =	smov.u32 s12;
	p1 =	sgt.s32 s18, $0x2FF  }
0x22: {  	s19 =	smov.u32 @p1 s15  }
0x23: {  	s21 =	smov.u32 s13;
	s15 =	sadd.s32 $0x400, s13;
	p2 =	sgt.s32 s19, $0x31  }
0x24: {  	s21 =	smov.u32 @p2 s15  }
0x25: {  	s18 =	simm.s32 @p1 $0x0;
	p1 =	sgt.s32 s21, $0x3FF  }
0x26: {  	p0 =	slt.u32 s14, $0x2;
	s21 =	smov.u32 @p1 s1;
	p1 =	sne.s32 s14, s8  }
.Ltmp1:
0x27: {  	s20 =	simm.s32 @!p0 $0x2;
	(pc) =	sbr.rel @!p1 .LBB1_6-.Ltmp1, $4  }
0x28: {  	s16 =	smov.u32 s11;
	s17 =	smov.u32 s13;
	_ =	swait.ge @!p0 [sflag:s20], $0x4000  }
0x29: {  	s10 =	sadd.s32 $0x4000, s10;
	[sflag:s20] =	ssyncset.done @!p0 $0x0;
	s11 =	smov.u32 s18  }
0x2a: {  	s19 =	smov.u32 @p2 s2;
	s15 =	smov.u32 s12;
	[sflag:s20] =	ssyncadd.s32 @!p0 $0xFFFFC000  }
0x2b: {  	s12 =	smov.u32 s19;
	s14 =	sadd.s32 $0x1, s14;
	s13 =	smov.u32 s21  }
.LBB1_1:
0x2c: {  	p0 =	sge.u32 s14, s6  }
0x2d: {  	s18 =	sshrl.u32 @!p0 s12, $0x3  }
0x2e: {  	s19 =	sshll.u32 @!p0 s11, $0x3;
	s18 =	smul.u32 @!p0 $0x1800, s18  }
0x2f: {  	s20 =	sshll.u32 @!p0 s12, $0x7;
	s19 =	sand.u32 @!p0 $0xFFFFFC00, s19  }
0x30: {  	s18 =	sadd.s32 @!p0 s18, s19;
	s19 =	sand.u32 @!p0 $0x380, s20  }
0x31: {  	s18 =	sor.u32 @!p0 s19, s18  }
0x32: {  	s19 =	sand.u32 @!p0 $0x7F, s11;
	s20 =	smulhi.u32 @!p0 $0xAAAAAAAB, s18  }
0x33: {  	s18 =	sor.u32 @!p0 s19, s18  }
0x34: {  	s19 =	smulhi.u32 @!p0 $0xAAAAAAAB, s18;
	s20 =	sshrl.u32 @!p0 s20, $0x9  }
0x35: {  	s21 =	smulhi.u32 @!p0 $0x4924925, s20;
	_ =	sdelay $0x1  }
0x36: {  	s19 =	sshrl.u32 @!p0 s19, $0x9;
	s21 =	smul.u32 @!p0 $0x38, s21  }
0x37: {  	s31 =	sadd.s32 $0xFFFFFFFF, s14;
	s19 =	smul.u32 @!p0 $0x300, s19  }
0x38: {  	s22 =	sxor.u32 @!p0 $0xFFFFFFFF, s14;
	s20 =	ssub.s32 @!p0 s20, s21;
	s21 =	smul.u32 @!p0 $0x1500, s13  }
0x39: {  	s22 =	sshll.u32 @!p0 s22, $0xE;
	s18 =	ssub.s32 @!p0 s18, s19;
	s19 =	smul.u32 @!p0 $0x60, s20  }
0x3a: {  	s20 =	sand.u32 @!p0 $0x4000, s22;
	s22 =	sand.u32 @!p0 $0x7, s18;
	s21 =	sadd.s32 @!p0 s7, s21  }
0x3b: {  	s18 =	sshrl.u32 @!p0 s18, $0x3;
	s19 =	sadd.s32 @!p0 s19, s21;
	s21 =	sshll.u32 @!p0 s22, $0x12  }
0x3c: {  	s18 =	sadd.s32 @!p0 s18, s19;
	s19 =	sor.u32 @!p0 $0x80, s21;
	s21 =	simm.s32 @!p0 $0xA800  }
0x3d: {  	[tilespmem:s20], [sflag:$0x1] =	stream.strided.gather @!p0 [hbm4b:s18+s19], $0x4000, s21, s19, $0x38;
	[tilespmem:$0x10000] =	vst v63  }
0x3e: {  	p0 =	sge.u32 s31, s6  }
.Ltmp2:
0x3f: {  	_ = 	snop;
	(pc) =	sbr.rel @p0 .LBB1_5-.Ltmp2, $1  }
0x40: {  	_ =	sdelay $0x3  }
0x41: {  	s18 =	sand.u32 $0x4000, s10  }
0x42: {  	s19 =	sor.u32 $0x70, s18  }
0x43: {  	v1 =	vmov s19;
	_ =	sdelay $0x1  }
0x44: {  	_ =	swait.ge [sflag:s5], $0x4000  }
0x45: {  	[sflag:s5] =	ssyncset.done $0x0  }
0x46: {  	s20 =	simm.s32 $0x0;
	[sflag:s5] =	ssyncadd.s32 $0xFFFFC000  }
0x47: {  	s18 =	sor.u32 $0x8040, s18;
	v6 =	vld.idx.msk [tilespmem:v1+s20+$0x0 ss:$0x1], $0xffff  }
0x48: {  	v0 =	vmov s18;
	v8 =	vld.idx.msk [tilespmem:v1+s20+$0xFFFFFF90 ss:$0x1], $0xffff  }
0x49: {  	v7 =	vld.idx.msk [tilespmem:v1+s20+$0xFFFFFFA0 ss:$0x1], $0xffff  }
0x4a: {  	v5 =	vld.idx.msk [tilespmem:v1+s20+$0xFFFFFFB0 ss:$0x1], $0xffff  }
0x4b: {  	v4 =	vld.idx.msk [tilespmem:v1+s20+$0xFFFFFFC0 ss:$0x1], $0xffff  }
0x4c: {  	s31 =	sshll.u32 s14, $0xE;
	v2 =	vld.idx.msk [tilespmem:v1+s20+$0xFFFFFFD0 ss:$0x1], $0xffff  }
0x4d: {  	s18 =	sand.u32 $0x4000, s31;
	v3 =	vld.idx.msk [tilespmem:v1+s20+$0xFFFFFFE0 ss:$0x1], $0xffff;
	[tilespmem:v0+s20+$0x30 ss:$0x1] =	vst.idx.msk $0xffff, v6  }
0x4e: {  	s21 =	simm.s32 $0x400;
	s19 =	simm.s32 $0x80;
	s18 =	sor.u32 $0x8000, s18;
	[tilespmem:v0+s20+$0xFFFFFFC0 ss:$0x1] =	vst.idx.msk $0xffff, v8;
	v6 =	vld.idx.msk [tilespmem:v1+s20+$0xFFFFFFF0 ss:$0x1], $0xffff  }
.LBB1_3:
0x4f: {  	p0 =	sne.s32 s21, $0xFE00;
	v8 =	vld.idx.msk [tilespmem:v1+s19+$0x0 ss:$0x1], $0xffff;
	[tilespmem:v0+s20+$0xFFFFFFD0 ss:$0x1] =	vst.idx.msk $0xffff, v7  }
0x50: {  	v9 =	vld.idx.msk [tilespmem:v1+s19+$0xFFFFFF90 ss:$0x1], $0xffff;
	[tilespmem:v0+s20+$0xFFFFFFE0 ss:$0x1] =	vst.idx.msk $0xffff, v5  }
0x51: {  	v7 =	vld.idx.msk [tilespmem:v1+s19+$0xFFFFFFA0 ss:$0x1], $0xffff;
	[tilespmem:v0+s20+$0xFFFFFFF0 ss:$0x1] =	vst.idx.msk $0xffff, v4  }
.Ltmp3:
0x52: {  	v5 =	vld.idx.msk [tilespmem:v1+s19+$0xFFFFFFB0 ss:$0x1], $0xffff;
	[tilespmem:v0+s20+$0x0 ss:$0x1] =	vst.idx.msk $0xffff, v2;
	(pc) =	sbr.rel @p0 .LBB1_3-.Ltmp3, $4  }
0x53: {  	v4 =	vld.idx.msk [tilespmem:v1+s19+$0xFFFFFFC0 ss:$0x1], $0xffff;
	[tilespmem:v0+s20+$0x10 ss:$0x1] =	vst.idx.msk $0xffff, v3  }
0x54: {  	v2 =	vld.idx.msk [tilespmem:v1+s19+$0xFFFFFFD0 ss:$0x1], $0xffff;
	[tilespmem:v0+s20+$0x20 ss:$0x1] =	vst.idx.msk $0xffff, v6;
	s20 =	smov.u32 s19  }
0x55: {  	v3 =	vld.idx.msk [tilespmem:v1+s20+$0xFFFFFFE0 ss:$0x1], $0xffff;
	[tilespmem:v0+s20+$0x30 ss:$0x1] =	vst.idx.msk $0xffff, v8  }
0x56: {  	s19 =	sshra.s32 s21, $0x2;
	s21 =	sadd.s32 $0x200, s21;
	[tilespmem:v0+s20+$0xFFFFFFC0 ss:$0x1] =	vst.idx.msk $0xffff, v9;
	v6 =	vld.idx.msk [tilespmem:v1+s20+$0xFFFFFFF0 ss:$0x1], $0xffff  }
.Ltmp4:
0x57: {  	_ = 	snop;
	(pc) =	sbr.rel .LBB1_4-.Ltmp4, $1  }
0x58: {  	_ =	sdelay $0x3  }
.LBB1_6:
0x59: {  	_ =	sfence.sel $0x180000  }
0x5a: {  	s1 =	simm.s32 $0x1;
	[bflag:$0x0] =	sbarrier.arrive $0xFFFF  }
0x5b: {  	s31 =	simm.s32 $0x2;
	[sflag:s1] =	ssyncpa.u1 $0x1  }
0x5c: {  	[sflag:s31] =	ssyncpa.u1 $0x1  }
0x5d: {  	p0 =	sne.s32 s0, $0x0;
	_ =	strace $0x9000004A  }
0x5e: {  	s0 =	sadd.s32 @!p0 $0x100000, s3;
	[bflag:$0x2] =	sbarrier.arrive $0xFFFF  }
0x5f: {  	[sflag:s0] =	ssyncadd.tile.s32 @!p0 $0x1;
	_ =	shalt  }
.Lfunc_end1:
_tile_overlayer_lowered:
.L_overlay_start_2:
0x60: {  	(tag) =	ssettag $0x2  }
0x61: {  	s0 =	rddreg [dreg:$0x0];
	s2 =	stileid.u32  }
0x62: {  	s1 =	rddreg [dreg:$0x1];
	p0 =	sne.s32 s2, $0x0  }
0x63: {  	s3 =	rddreg [dreg:$0x2];
	[bflag:$0x3] =	sbarrier.arrive $0xFFFF;
	s2 =	simm.s32 @!p0 $0x1C01  }
0x64: {  	[timem:s3], [sflag:s2] =	dma.local @!p0 [hbm:s0], s1  }
0x65: {  	s0 =	simm.s32 @!p0 $0x1  }
0x66: {  	_ =	swait.ge @!p0 [sflag:s0], s1  }
0x67: {  	s1 =	ssub.s32 @!p0 $0x0, s1;
	[sflag:s0] =	ssyncset.done @!p0 $0x0  }
0x68: {  	[sflag:s0] =	ssyncadd.s32 @!p0 s1  }
0x69: {  	[bflag:$0x3] =	sbarrier.arrive $0xFFFF  }
0x6a: {  	_ =	shalt  }

</sc_bundles>
